<compile_context>
chip_gen: v7x
topology: tpu7x:2x2x1
jax: 0.10.2.dev20260603
libtpu: 0.0.44.dev20260713+nightly
codegen_flags: <defaults>
</compile_context>

<pallas_src>
import functools

import jax
import jax.numpy as jnp
from jax import lax
from jax.experimental import pallas as pl
from jax.experimental.pallas import tpu as pltpu
from jax.experimental.pallas import tpu_sc as plsc


@functools.lru_cache(maxsize=None)
def _build(V, D, R, T):
    B = R * T
    info = plsc.get_sparse_core_info()
    NC, NS = info.num_cores, info.num_subcores
    NW = NC * NS
    assert B % NW == 0
    b_per_w = B // NW
    assert T % b_per_w == 0
    w_per_row = T // b_per_w
    C = 8
    NBUF = 3
    K = 2
    assert b_per_w % C == 0
    n_chunks = b_per_w // C
    assert n_chunks >= NBUF and K < NBUF
    assert n_chunks - (n_chunks // NBUF) * NBUF <= K

    mesh = plsc.VectorSubcoreMesh(core_axis_name="c", subcore_axis_name="s")

    @functools.partial(
        pl.kernel,
        mesh=mesh,
        out_type=jax.ShapeDtypeStruct((R, T, D), jnp.float32),
        scratch_types=[
            pltpu.VMEM((b_per_w,), jnp.int32),
            pltpu.VMEM((NBUF, C, D), jnp.float32),
            pltpu.SemaphoreType.DMA((NBUF,)),
            pltpu.SemaphoreType.DMA((NBUF,)),
        ],
    )
    def gather_kernel(idx_hbm, table_hbm, out_hbm, idx_v, rows_v, gsem, wsem):
        wid = lax.axis_index("s") * NC + lax.axis_index("c")
        r = wid // w_per_row
        c = (wid % w_per_row) * b_per_w
        pltpu.sync_copy(idx_hbm.at[r, pl.ds(c, b_per_w)], idx_v)

        def fire_gather(chunk, slot):
            pltpu.async_copy(
                table_hbm.at[idx_v.at[pl.ds(chunk * C, C)]],
                rows_v.at[slot],
                gsem.at[slot],
            )

        def wait_gather(slot):
            pltpu.make_async_copy(
                table_hbm.at[idx_v.at[pl.ds(0, C)]], rows_v.at[slot], gsem.at[slot]
            ).wait()

        def fire_write(chunk, slot):
            pltpu.async_copy(
                rows_v.at[slot],
                out_hbm.at[r, pl.ds(c + chunk * C, C)],
                wsem.at[slot],
            )

        def wait_write(slot):
            pltpu.make_async_copy(
                rows_v.at[slot], out_hbm.at[r, pl.ds(c, C)], wsem.at[slot]
            ).wait()

        for b in range(K):
            fire_gather(b, b)

        n_groups = n_chunks // NBUF

        def group(g, carry):
            for b in range(NBUF):
                i = g * NBUF + b
                f_slot = (b + K) % NBUF
                j2 = i + K
                w = j2 - NBUF

                @pl.when((w >= 0) & (j2 < n_chunks))
                def _():
                    wait_write(f_slot)

                @pl.when(j2 < n_chunks)
                def _():
                    fire_gather(j2, f_slot)

                wait_gather(b)
                fire_write(i, b)
            return carry

        lax.fori_loop(0, n_groups, group, 0)

        for i in range(n_groups * NBUF, n_chunks):
            wait_gather(i % NBUF)
            fire_write(i, i % NBUF)

        for t in range(NBUF):
            wait_write((n_chunks - NBUF + t) % NBUF)

    return gather_kernel


def kernel(x, embedding):
    V, D = embedding.shape
    R, T = x.shape
    return _build(V, D, R, T)(x, embedding)

# --- scband reference (transcript-rebuilt; emitter-appended) ---
"""Pipeline reference for scband-embedding-shard-10479720202251 (READ-ONLY COPY).

The authoritative reference and input builder live on the scoring server;
editing this copy changes nothing except your own understanding.
"""

import jax, jax.numpy as jnp
import numpy as np

N_VOCAB = 50400
D_MODEL = 4096

def setup_inputs(seed: int = 0) -> dict:
    key = jax.random.key(seed)
    k1, k2 = jax.random.split(key)
    x = jax.random.randint(k1, (4, 2048), 0, N_VOCAB, dtype=jnp.int32)
    # flax nn.Embed default init: variance-scaling normal with stddev=1/sqrt(features)
    embedding = jax.random.normal(k2, (N_VOCAB, D_MODEL), dtype=jnp.float32) * (1.0 / np.sqrt(D_MODEL))
    return {"x": x, "embedding": embedding}

def reference(x, embedding):
    # EmbeddingShard.__call__: self.embed_layer(x) -> table gather
    return jnp.take(embedding, x, axis=0)

if __name__ == "__main__":
    import jax
    _d = setup_inputs()
    print(jax.jit(kernel)(*tuple(_d.values())))

</pallas_src>

<mosaic_0001>
#map = affine_map<(d0, d1) -> (0, 0)>
#map1 = affine_map<(d0, d1) -> (0, 0, 0)>
module attributes {stable_mosaic.version = 14 : i64} {
  func.func @gather_kernel(%arg0: i32, %arg1: i32, %arg2: memref<4x2048xi32, #tpu.memory_space<hbm>>, %arg3: memref<50400x4096xf32, #tpu.memory_space<hbm>>, %arg4: memref<4x2048x4096xf32, #tpu.memory_space<hbm>>, %arg5: memref<256xi32, #tpu.memory_space<vmem>>, %arg6: memref<3x8x4096xf32, #tpu.memory_space<vmem>>, %arg7: memref<3x!tpu.dma_semaphore, #tpu.memory_space<semaphore_mem>>, %arg8: memref<3x!tpu.dma_semaphore, #tpu.memory_space<semaphore_mem>>) attributes {dimension_semantics = [#tpu.dimension_semantics<core_parallel>, #tpu.dimension_semantics<subcore_parallel>], iteration_bounds = array<i64: 2, 16>, scalar_prefetch = 0 : i64, scratch_operands = 4 : i64, tpu.core_type = #tpu.core_type<sc_vector_subcore>, window_params = [{transform_indices = #map}, {transform_indices = #map}, {transform_indices = #map1}]} {
    %mul3A = arith.constant 2 : i32
    %mul3A_0 = arith.muli %arg1, %mul3A : i32
    %add3A = arith.addi %mul3A_0, %arg0 : i32
    %jit3A = arith.constant 8 : i32
    %div3A = arith.divsi %add3A, %jit3A : i32
    %sign3A = arith.constant 0 : i32
    %sign3A_1 = arith.cmpi sgt, %add3A, %sign3A : i32
    %sign3A_2 = arith.extui %sign3A_1 : i1 to i32
    %sign3A_3 = arith.constant 0 : i32
    %sign3A_4 = arith.cmpi slt, %add3A, %sign3A_3 : i32
    %sign3A_5 = arith.extui %sign3A_4 : i1 to i32
    %sign3A_6 = arith.subi %sign3A_2, %sign3A_5 : i32
    %sign3A_7 = arith.constant 0 : i32
    %sign3A_8 = arith.cmpi sgt, %jit3A, %sign3A_7 : i32
    %sign3A_9 = arith.extui %sign3A_8 : i1 to i32
    %sign3A_10 = arith.constant 0 : i32
    %sign3A_11 = arith.cmpi slt, %jit3A, %sign3A_10 : i32
    %sign3A_12 = arith.extui %sign3A_11 : i1 to i32
    %sign3A_13 = arith.subi %sign3A_9, %sign3A_12 : i32
    %ne3A = arith.cmpi ne, %sign3A_6, %sign3A_13 : i32
    %rem3A = arith.remsi %add3A, %jit3A : i32
    %ne3A_14 = arith.constant 0 : i32
    %ne3A_15 = arith.cmpi ne, %rem3A, %ne3A_14 : i32
    %and3A = arith.andi %ne3A, %ne3A_15 : i1
    %sub3A = arith.constant 1 : i32
    %sub3A_16 = arith.subi %div3A, %sub3A : i32
    %select_n3A = arith.select %and3A, %sub3A_16, %div3A : i32
    %jit3A_17 = arith.constant 8 : i32
    %eq3A = arith.constant 0 : i32
    %eq3A_18 = arith.cmpi eq, %jit3A_17, %eq3A : i32
    %jit3A_19 = arith.constant 1 : i32
    %select_n3A_20 = arith.select %eq3A_18, %jit3A_19, %jit3A_17 : i32
    %rem3A_21 = arith.remsi %add3A, %select_n3A_20 : i32
    %ne3A_22 = arith.constant 0 : i32
    %ne3A_23 = arith.cmpi ne, %rem3A_21, %ne3A_22 : i32
    %lt3A = arith.constant 0 : i32
    %lt3A_24 = arith.cmpi slt, %rem3A_21, %lt3A : i32
    %lt3A_25 = arith.constant 0 : i32
    %lt3A_26 = arith.cmpi slt, %select_n3A_20, %lt3A_25 : i32
    %ne3A_27 = arith.xori %lt3A_24, %lt3A_26 : i1
    %and3A_28 = arith.andi %ne3A_27, %ne3A_23 : i1
    %add3A_29 = arith.addi %rem3A_21, %select_n3A_20 : i32
    %select_n3A_30 = arith.select %and3A_28, %add3A_29, %rem3A_21 : i32
    %mul3A_31 = arith.constant 256 : i32
    %mul3A_32 = arith.muli %select_n3A_30, %mul3A_31 : i32
    "tpu.region"() ({
      %run_scoped3A = tpu.sem_alloc : memref<!tpu.dma_semaphore, #tpu.memory_space<semaphore_mem>>
      %dma_start3A_182 = tpu.memref_slice %arg2[%select_n3A, %mul3A_32] : memref<4x2048xi32, #tpu.memory_space<hbm>> -> memref<1x256xi32, #tpu.memory_space<hbm>>
      %dma_start3A_183 = tpu.memref_squeeze %dma_start3A_182 : memref<1x256xi32, #tpu.memory_space<hbm>> -> memref<256xi32, #tpu.memory_space<hbm>>
      %dma_start3A_184 = tpu.memref_slice %arg2[%select_n3A, %mul3A_32] : memref<4x2048xi32, #tpu.memory_space<hbm>> -> memref<1x256xi32, #tpu.memory_space<hbm>>
      %dma_start3A_185 = tpu.memref_squeeze %dma_start3A_184 : memref<1x256xi32, #tpu.memory_space<hbm>> -> memref<256xi32, #tpu.memory_space<hbm>>
      tpu.enqueue_dma source(%dma_start3A_185 : memref<256xi32, #tpu.memory_space<hbm>>) target(%arg5 : memref<256xi32, #tpu.memory_space<vmem>>) target_semaphore(%run_scoped3A : memref<!tpu.dma_semaphore, #tpu.memory_space<semaphore_mem>>)
      %dma_wait3A_186 = tpu.memref_slice %arg2[%select_n3A, %mul3A_32] : memref<4x2048xi32, #tpu.memory_space<hbm>> -> memref<1x256xi32, #tpu.memory_space<hbm>>
      %dma_wait3A_187 = tpu.memref_squeeze %dma_wait3A_186 : memref<1x256xi32, #tpu.memory_space<hbm>> -> memref<256xi32, #tpu.memory_space<hbm>>
      %dma_wait3A_188 = tpu.memref_slice %arg2[%select_n3A, %mul3A_32] : memref<4x2048xi32, #tpu.memory_space<hbm>> -> memref<1x256xi32, #tpu.memory_space<hbm>>
      %dma_wait3A_189 = tpu.memref_squeeze %dma_wait3A_188 : memref<1x256xi32, #tpu.memory_space<hbm>> -> memref<256xi32, #tpu.memory_space<hbm>>
      tpu.wait_dma2 semaphore(%run_scoped3A : memref<!tpu.dma_semaphore, #tpu.memory_space<semaphore_mem>>) src(%dma_wait3A_189 : memref<256xi32, #tpu.memory_space<hbm>>) dst(%arg5 : memref<256xi32, #tpu.memory_space<vmem>>)
      tpu.yield
    }) : () -> ()
    %dma_start3A = arith.constant 0 : i32
    %dma_start3A_33 = arith.constant 0 : i32
    %dma_start3A_34 = arith.constant 0 : i32
    %dma_start3A_35 = arith.constant 0 : i32
    %dma_start3A_36 = tpu.memref_slice %arg6[%dma_start3A, %dma_start3A_34, %dma_start3A_35] : memref<3x8x4096xf32, #tpu.memory_space<vmem>> -> memref<1x8x4096xf32, #tpu.memory_space<vmem>>
    %dma_start3A_37 = tpu.memref_squeeze %dma_start3A_36 : memref<1x8x4096xf32, #tpu.memory_space<vmem>> -> memref<8x4096xf32, #tpu.memory_space<vmem>>
    %dma_start3A_38 = arith.constant 0 : i32
    %dma_start3A_39 = tpu.memref_slice %arg5[%dma_start3A_38] : memref<256xi32, #tpu.memory_space<vmem>> -> memref<8xi32, #tpu.memory_space<vmem>>
    %dma_start3A_40 = arith.constant 0 : i32
    %dma_start3A_41 = arith.constant 0 : i32
    %dma_start3A_42 = tpu.memref_slice %arg3[%dma_start3A_40, %dma_start3A_41] : memref<50400x4096xf32, #tpu.memory_space<hbm>> -> memref<50400x4096xf32, #tpu.memory_space<hbm>>
    %dma_start3A_43 = tpu.memref_slice %arg7[%dma_start3A_33] : memref<3x!tpu.dma_semaphore, #tpu.memory_space<semaphore_mem>> -> memref<1x!tpu.dma_semaphore, #tpu.memory_space<semaphore_mem>>
    %dma_start3A_44 = tpu.memref_squeeze %dma_start3A_43 : memref<1x!tpu.dma_semaphore, #tpu.memory_space<semaphore_mem>> -> memref<!tpu.dma_semaphore, #tpu.memory_space<semaphore_mem>>
    tpu.enqueue_indirect_dma source(%dma_start3A_42 : memref<50400x4096xf32, #tpu.memory_space<hbm>>) target(%dma_start3A_37 : memref<8x4096xf32, #tpu.memory_space<vmem>>) offsets(%dma_start3A_39 : memref<8xi32, #tpu.memory_space<vmem>>) semaphore(%dma_start3A_44 : memref<!tpu.dma_semaphore, #tpu.memory_space<semaphore_mem>>)
    %dma_start3A_45 = arith.constant 1 : i32
    %dma_start3A_46 = arith.constant 1 : i32
    %dma_start3A_47 = arith.constant 0 : i32
    %dma_start3A_48 = arith.constant 0 : i32
    %dma_start3A_49 = tpu.memref_slice %arg6[%dma_start3A_45, %dma_start3A_47, %dma_start3A_48] : memref<3x8x4096xf32, #tpu.memory_space<vmem>> -> memref<1x8x4096xf32, #tpu.memory_space<vmem>>
    %dma_start3A_50 = tpu.memref_squeeze %dma_start3A_49 : memref<1x8x4096xf32, #tpu.memory_space<vmem>> -> memref<8x4096xf32, #tpu.memory_space<vmem>>
    %dma_start3A_51 = arith.constant 8 : i32
    %dma_start3A_52 = tpu.memref_slice %arg5[%dma_start3A_51] : memref<256xi32, #tpu.memory_space<vmem>> -> memref<8xi32, #tpu.memory_space<vmem>>
    %dma_start3A_53 = arith.constant 0 : i32
    %dma_start3A_54 = arith.constant 0 : i32
    %dma_start3A_55 = tpu.memref_slice %arg3[%dma_start3A_53, %dma_start3A_54] : memref<50400x4096xf32, #tpu.memory_space<hbm>> -> memref<50400x4096xf32, #tpu.memory_space<hbm>>
    %dma_start3A_56 = tpu.memref_slice %arg7[%dma_start3A_46] : memref<3x!tpu.dma_semaphore, #tpu.memory_space<semaphore_mem>> -> memref<1x!tpu.dma_semaphore, #tpu.memory_space<semaphore_mem>>
    %dma_start3A_57 = tpu.memref_squeeze %dma_start3A_56 : memref<1x!tpu.dma_semaphore, #tpu.memory_space<semaphore_mem>> -> memref<!tpu.dma_semaphore, #tpu.memory_space<semaphore_mem>>
    tpu.enqueue_indirect_dma source(%dma_start3A_55 : memref<50400x4096xf32, #tpu.memory_space<hbm>>) target(%dma_start3A_50 : memref<8x4096xf32, #tpu.memory_space<vmem>>) offsets(%dma_start3A_52 : memref<8xi32, #tpu.memory_space<vmem>>) semaphore(%dma_start3A_57 : memref<!tpu.dma_semaphore, #tpu.memory_space<semaphore_mem>>)
    %scan3A = arith.constant 0 : i32
    %scan3A_58 = arith.constant 0 : i32
    %scan3A_59 = arith.constant 10 : i32
    %scan3A_60 = arith.addi %scan3A_58, %scan3A_59 : i32
    %scan3A_61 = arith.constant 1 : i32
    scf.for %scan3A_182 = %scan3A_58 to %scan3A_60 step %scan3A_61  : i32 {
      %mul3A_183 = arith.constant 3 : i32
      %mul3A_184 = arith.muli %scan3A_182, %mul3A_183 : i32
      %add3A_185 = arith.constant 0 : i32
      %add3A_186 = arith.addi %mul3A_184, %add3A_185 : i32
      %add3A_187 = arith.constant 2 : i32
      %add3A_188 = arith.addi %add3A_186, %add3A_187 : i32
      %sub3A_189 = arith.constant 3 : i32
      %sub3A_190 = arith.subi %add3A_188, %sub3A_189 : i32
      %ge3A = arith.constant 0 : i32
      %ge3A_191 = arith.cmpi sge, %sub3A_190, %ge3A : i32
      %lt3A_192 = arith.constant 32 : i32
      %lt3A_193 = arith.cmpi slt, %add3A_188, %lt3A_192 : i32
      %and3A_194 = arith.andi %ge3A_191, %lt3A_193 : i1
      %convert_element_type3A = arith.extui %and3A_194 : i1 to i32
      %cond3A = arith.constant 0 : i32
      %cond3A_195 = arith.cmpi ne, %convert_element_type3A, %cond3A : i32
      scf.if %cond3A_195 {
        %dma_wait3A_345 = arith.constant 2 : i32
        %dma_wait3A_346 = arith.constant 2 : i32
        %dma_wait3A_347 = arith.constant 0 : i32
        %dma_wait3A_348 = arith.constant 0 : i32
        %dma_wait3A_349 = tpu.memref_slice %arg6[%dma_wait3A_345, %dma_wait3A_347, %dma_wait3A_348] : memref<3x8x4096xf32, #tpu.memory_space<vmem>> -> memref<1x8x4096xf32, #tpu.memory_space<vmem>>
        %dma_wait3A_350 = tpu.memref_squeeze %dma_wait3A_349 : memref<1x8x4096xf32, #tpu.memory_space<vmem>> -> memref<8x4096xf32, #tpu.memory_space<vmem>>
        %dma_wait3A_351 = arith.constant 0 : i32
        %dma_wait3A_352 = tpu.memref_slice %arg4[%select_n3A, %mul3A_32, %dma_wait3A_351] : memref<4x2048x4096xf32, #tpu.memory_space<hbm>> -> memref<1x8x4096xf32, #tpu.memory_space<hbm>>
        %dma_wait3A_353 = tpu.memref_squeeze %dma_wait3A_352 : memref<1x8x4096xf32, #tpu.memory_space<hbm>> -> memref<8x4096xf32, #tpu.memory_space<hbm>>
        %dma_wait3A_354 = tpu.memref_slice %arg8[%dma_wait3A_346] : memref<3x!tpu.dma_semaphore, #tpu.memory_space<semaphore_mem>> -> memref<1x!tpu.dma_semaphore, #tpu.memory_space<semaphore_mem>>
        %dma_wait3A_355 = tpu.memref_squeeze %dma_wait3A_354 : memref<1x!tpu.dma_semaphore, #tpu.memory_space<semaphore_mem>> -> memref<!tpu.dma_semaphore, #tpu.memory_space<semaphore_mem>>
        %dma_wait3A_356 = arith.constant 0 : i32
        %dma_wait3A_357 = tpu.memref_slice %arg4[%select_n3A, %mul3A_32, %dma_wait3A_356] : memref<4x2048x4096xf32, #tpu.memory_space<hbm>> -> memref<1x8x4096xf32, #tpu.memory_space<hbm>>
        %dma_wait3A_358 = tpu.memref_squeeze %dma_wait3A_357 : memref<1x8x4096xf32, #tpu.memory_space<hbm>> -> memref<8x4096xf32, #tpu.memory_space<hbm>>
        %dma_wait3A_359 = arith.constant 0 : i32
        %dma_wait3A_360 = arith.constant 0 : i32
        %dma_wait3A_361 = tpu.memref_slice %arg6[%dma_wait3A_345, %dma_wait3A_359, %dma_wait3A_360] : memref<3x8x4096xf32, #tpu.memory_space<vmem>> -> memref<1x8x4096xf32, #tpu.memory_space<vmem>>
        %dma_wait3A_362 = tpu.memref_squeeze %dma_wait3A_361 : memref<1x8x4096xf32, #tpu.memory_space<vmem>> -> memref<8x4096xf32, #tpu.memory_space<vmem>>
        tpu.wait_dma2 semaphore(%dma_wait3A_355 : memref<!tpu.dma_semaphore, #tpu.memory_space<semaphore_mem>>) src(%dma_wait3A_362 : memref<8x4096xf32, #tpu.memory_space<vmem>>) dst(%dma_wait3A_358 : memref<8x4096xf32, #tpu.memory_space<hbm>>)
      } else {
      }
      %lt3A_196 = arith.constant 32 : i32
      %lt3A_197 = arith.cmpi slt, %add3A_188, %lt3A_196 : i32
      %convert_element_type3A_198 = arith.extui %lt3A_197 : i1 to i32
      %cond3A_199 = arith.constant 0 : i32
      %cond3A_200 = arith.cmpi ne, %convert_element_type3A_198, %cond3A_199 : i32
      scf.if %cond3A_200 {
        %mul3A_345 = arith.constant 8 : i32
        %mul3A_346 = arith.muli %add3A_188, %mul3A_345 : i32
        %dma_start3A_347 = arith.constant 2 : i32
        %dma_start3A_348 = arith.constant 2 : i32
        %dma_start3A_349 = arith.constant 0 : i32
        %dma_start3A_350 = arith.constant 0 : i32
        %dma_start3A_351 = tpu.memref_slice %arg6[%dma_start3A_347, %dma_start3A_349, %dma_start3A_350] : memref<3x8x4096xf32, #tpu.memory_space<vmem>> -> memref<1x8x4096xf32, #tpu.memory_space<vmem>>
        %dma_start3A_352 = tpu.memref_squeeze %dma_start3A_351 : memref<1x8x4096xf32, #tpu.memory_space<vmem>> -> memref<8x4096xf32, #tpu.memory_space<vmem>>
        %dma_start3A_353 = tpu.memref_slice %arg5[%mul3A_346] : memref<256xi32, #tpu.memory_space<vmem>> -> memref<8xi32, #tpu.memory_space<vmem>>
        %dma_start3A_354 = arith.constant 0 : i32
        %dma_start3A_355 = arith.constant 0 : i32
        %dma_start3A_356 = tpu.memref_slice %arg3[%dma_start3A_354, %dma_start3A_355] : memref<50400x4096xf32, #tpu.memory_space<hbm>> -> memref<50400x4096xf32, #tpu.memory_space<hbm>>
        %dma_start3A_357 = tpu.memref_slice %arg7[%dma_start3A_348] : memref<3x!tpu.dma_semaphore, #tpu.memory_space<semaphore_mem>> -> memref<1x!tpu.dma_semaphore, #tpu.memory_space<semaphore_mem>>
        %dma_start3A_358 = tpu.memref_squeeze %dma_start3A_357 : memref<1x!tpu.dma_semaphore, #tpu.memory_space<semaphore_mem>> -> memref<!tpu.dma_semaphore, #tpu.memory_space<semaphore_mem>>
        tpu.enqueue_indirect_dma source(%dma_start3A_356 : memref<50400x4096xf32, #tpu.memory_space<hbm>>) target(%dma_start3A_352 : memref<8x4096xf32, #tpu.memory_space<vmem>>) offsets(%dma_start3A_353 : memref<8xi32, #tpu.memory_space<vmem>>) semaphore(%dma_start3A_358 : memref<!tpu.dma_semaphore, #tpu.memory_space<semaphore_mem>>)
      } else {
      }
      %dma_wait3A_201 = arith.constant 0 : i32
      %dma_wait3A_202 = arith.constant 0 : i32
      %dma_wait3A_203 = arith.constant 0 : i32
      %dma_wait3A_204 = arith.constant 0 : i32
      %dma_wait3A_205 = tpu.memref_slice %arg6[%dma_wait3A_201, %dma_wait3A_203, %dma_wait3A_204] : memref<3x8x4096xf32, #tpu.memory_space<vmem>> -> memref<1x8x4096xf32, #tpu.memory_space<vmem>>
      %dma_wait3A_206 = tpu.memref_squeeze %dma_wait3A_205 : memref<1x8x4096xf32, #tpu.memory_space<vmem>> -> memref<8x4096xf32, #tpu.memory_space<vmem>>
      %dma_wait3A_207 = arith.constant 0 : i32
      %dma_wait3A_208 = tpu.memref_slice %arg5[%dma_wait3A_207] : memref<256xi32, #tpu.memory_space<vmem>> -> memref<8xi32, #tpu.memory_space<vmem>>
      %dma_wait3A_209 = arith.constant 0 : i32
      %dma_wait3A_210 = arith.constant 0 : i32
      %dma_wait3A_211 = tpu.memref_slice %arg3[%dma_wait3A_209, %dma_wait3A_210] : memref<50400x4096xf32, #tpu.memory_space<hbm>> -> memref<50400x4096xf32, #tpu.memory_space<hbm>>
      %dma_wait3A_212 = tpu.memref_slice %arg7[%dma_wait3A_202] : memref<3x!tpu.dma_semaphore, #tpu.memory_space<semaphore_mem>> -> memref<1x!tpu.dma_semaphore, #tpu.memory_space<semaphore_mem>>
      %dma_wait3A_213 = tpu.memref_squeeze %dma_wait3A_212 : memref<1x!tpu.dma_semaphore, #tpu.memory_space<semaphore_mem>> -> memref<!tpu.dma_semaphore, #tpu.memory_space<semaphore_mem>>
      tpu.wait_indirect_dma semaphore(%dma_wait3A_213 : memref<!tpu.dma_semaphore, #tpu.memory_space<semaphore_mem>>) src(%dma_wait3A_211 : memref<50400x4096xf32, #tpu.memory_space<hbm>>) dst(%dma_wait3A_206 : memref<8x4096xf32, #tpu.memory_space<vmem>>)
      %mul3A_214 = arith.constant 8 : i32
      %mul3A_215 = arith.muli %add3A_186, %mul3A_214 : i32
      %add3A_216 = arith.addi %mul3A_32, %mul3A_215 : i32
      %dma_start3A_217 = arith.constant 0 : i32
      %dma_start3A_218 = arith.constant 0 : i32
      %dma_start3A_219 = arith.constant 0 : i32
      %dma_start3A_220 = arith.constant 0 : i32
      %dma_start3A_221 = tpu.memref_slice %arg6[%dma_start3A_217, %dma_start3A_219, %dma_start3A_220] : memref<3x8x4096xf32, #tpu.memory_space<vmem>> -> memref<1x8x4096xf32, #tpu.memory_space<vmem>>
      %dma_start3A_222 = tpu.memref_squeeze %dma_start3A_221 : memref<1x8x4096xf32, #tpu.memory_space<vmem>> -> memref<8x4096xf32, #tpu.memory_space<vmem>>
      %dma_start3A_223 = arith.constant 0 : i32
      %dma_start3A_224 = tpu.memref_slice %arg4[%select_n3A, %add3A_216, %dma_start3A_223] : memref<4x2048x4096xf32, #tpu.memory_space<hbm>> -> memref<1x8x4096xf32, #tpu.memory_space<hbm>>
      %dma_start3A_225 = tpu.memref_squeeze %dma_start3A_224 : memref<1x8x4096xf32, #tpu.memory_space<hbm>> -> memref<8x4096xf32, #tpu.memory_space<hbm>>
      %dma_start3A_226 = tpu.memref_slice %arg8[%dma_start3A_218] : memref<3x!tpu.dma_semaphore, #tpu.memory_space<semaphore_mem>> -> memref<1x!tpu.dma_semaphore, #tpu.memory_space<semaphore_mem>>
      %dma_start3A_227 = tpu.memref_squeeze %dma_start3A_226 : memref<1x!tpu.dma_semaphore, #tpu.memory_space<semaphore_mem>> -> memref<!tpu.dma_semaphore, #tpu.memory_space<semaphore_mem>>
      %dma_start3A_228 = arith.constant 0 : i32
      %dma_start3A_229 = tpu.memref_slice %arg4[%select_n3A, %add3A_216, %dma_start3A_228] : memref<4x2048x4096xf32, #tpu.memory_space<hbm>> -> memref<1x8x4096xf32, #tpu.memory_space<hbm>>
      %dma_start3A_230 = tpu.memref_squeeze %dma_start3A_229 : memref<1x8x4096xf32, #tpu.memory_space<hbm>> -> memref<8x4096xf32, #tpu.memory_space<hbm>>
      %dma_start3A_231 = arith.constant 0 : i32
      %dma_start3A_232 = arith.constant 0 : i32
      %dma_start3A_233 = tpu.memref_slice %arg6[%dma_start3A_217, %dma_start3A_231, %dma_start3A_232] : memref<3x8x4096xf32, #tpu.memory_space<vmem>> -> memref<1x8x4096xf32, #tpu.memory_space<vmem>>
      %dma_start3A_234 = tpu.memref_squeeze %dma_start3A_233 : memref<1x8x4096xf32, #tpu.memory_space<vmem>> -> memref<8x4096xf32, #tpu.memory_space<vmem>>
      tpu.enqueue_dma source(%dma_start3A_234 : memref<8x4096xf32, #tpu.memory_space<vmem>>) target(%dma_start3A_230 : memref<8x4096xf32, #tpu.memory_space<hbm>>) target_semaphore(%dma_start3A_227 : memref<!tpu.dma_semaphore, #tpu.memory_space<semaphore_mem>>)
      %mul3A_235 = arith.constant 3 : i32
      %mul3A_236 = arith.muli %scan3A_182, %mul3A_235 : i32
      %add3A_237 = arith.constant 1 : i32
      %add3A_238 = arith.addi %mul3A_236, %add3A_237 : i32
      %add3A_239 = arith.constant 2 : i32
      %add3A_240 = arith.addi %add3A_238, %add3A_239 : i32
      %sub3A_241 = arith.constant 3 : i32
      %sub3A_242 = arith.subi %add3A_240, %sub3A_241 : i32
      %ge3A_243 = arith.constant 0 : i32
      %ge3A_244 = arith.cmpi sge, %sub3A_242, %ge3A_243 : i32
      %lt3A_245 = arith.constant 32 : i32
      %lt3A_246 = arith.cmpi slt, %add3A_240, %lt3A_245 : i32
      %and3A_247 = arith.andi %ge3A_244, %lt3A_246 : i1
      %convert_element_type3A_248 = arith.extui %and3A_247 : i1 to i32
      %cond3A_249 = arith.constant 0 : i32
      %cond3A_250 = arith.cmpi ne, %convert_element_type3A_248, %cond3A_249 : i32
      scf.if %cond3A_250 {
        %dma_wait3A_345 = arith.constant 0 : i32
        %dma_wait3A_346 = arith.constant 0 : i32
        %dma_wait3A_347 = arith.constant 0 : i32
        %dma_wait3A_348 = arith.constant 0 : i32
        %dma_wait3A_349 = tpu.memref_slice %arg6[%dma_wait3A_345, %dma_wait3A_347, %dma_wait3A_348] : memref<3x8x4096xf32, #tpu.memory_space<vmem>> -> memref<1x8x4096xf32, #tpu.memory_space<vmem>>
        %dma_wait3A_350 = tpu.memref_squeeze %dma_wait3A_349 : memref<1x8x4096xf32, #tpu.memory_space<vmem>> -> memref<8x4096xf32, #tpu.memory_space<vmem>>
        %dma_wait3A_351 = arith.constant 0 : i32
        %dma_wait3A_352 = tpu.memref_slice %arg4[%select_n3A, %mul3A_32, %dma_wait3A_351] : memref<4x2048x4096xf32, #tpu.memory_space<hbm>> -> memref<1x8x4096xf32, #tpu.memory_space<hbm>>
        %dma_wait3A_353 = tpu.memref_squeeze %dma_wait3A_352 : memref<1x8x4096xf32, #tpu.memory_space<hbm>> -> memref<8x4096xf32, #tpu.memory_space<hbm>>
        %dma_wait3A_354 = tpu.memref_slice %arg8[%dma_wait3A_346] : memref<3x!tpu.dma_semaphore, #tpu.memory_space<semaphore_mem>> -> memref<1x!tpu.dma_semaphore, #tpu.memory_space<semaphore_mem>>
        %dma_wait3A_355 = tpu.memref_squeeze %dma_wait3A_354 : memref<1x!tpu.dma_semaphore, #tpu.memory_space<semaphore_mem>> -> memref<!tpu.dma_semaphore, #tpu.memory_space<semaphore_mem>>
        %dma_wait3A_356 = arith.constant 0 : i32
        %dma_wait3A_357 = tpu.memref_slice %arg4[%select_n3A, %mul3A_32, %dma_wait3A_356] : memref<4x2048x4096xf32, #tpu.memory_space<hbm>> -> memref<1x8x4096xf32, #tpu.memory_space<hbm>>
        %dma_wait3A_358 = tpu.memref_squeeze %dma_wait3A_357 : memref<1x8x4096xf32, #tpu.memory_space<hbm>> -> memref<8x4096xf32, #tpu.memory_space<hbm>>
        %dma_wait3A_359 = arith.constant 0 : i32
        %dma_wait3A_360 = arith.constant 0 : i32
        %dma_wait3A_361 = tpu.memref_slice %arg6[%dma_wait3A_345, %dma_wait3A_359, %dma_wait3A_360] : memref<3x8x4096xf32, #tpu.memory_space<vmem>> -> memref<1x8x4096xf32, #tpu.memory_space<vmem>>
        %dma_wait3A_362 = tpu.memref_squeeze %dma_wait3A_361 : memref<1x8x4096xf32, #tpu.memory_space<vmem>> -> memref<8x4096xf32, #tpu.memory_space<vmem>>
        tpu.wait_dma2 semaphore(%dma_wait3A_355 : memref<!tpu.dma_semaphore, #tpu.memory_space<semaphore_mem>>) src(%dma_wait3A_362 : memref<8x4096xf32, #tpu.memory_space<vmem>>) dst(%dma_wait3A_358 : memref<8x4096xf32, #tpu.memory_space<hbm>>)
      } else {
      }
      %lt3A_251 = arith.constant 32 : i32
      %lt3A_252 = arith.cmpi slt, %add3A_240, %lt3A_251 : i32
      %convert_element_type3A_253 = arith.extui %lt3A_252 : i1 to i32
      %cond3A_254 = arith.constant 0 : i32
      %cond3A_255 = arith.cmpi ne, %convert_element_type3A_253, %cond3A_254 : i32
      scf.if %cond3A_255 {
        %mul3A_345 = arith.constant 8 : i32
        %mul3A_346 = arith.muli %add3A_240, %mul3A_345 : i32
        %dma_start3A_347 = arith.constant 0 : i32
        %dma_start3A_348 = arith.constant 0 : i32
        %dma_start3A_349 = arith.constant 0 : i32
        %dma_start3A_350 = arith.constant 0 : i32
        %dma_start3A_351 = tpu.memref_slice %arg6[%dma_start3A_347, %dma_start3A_349, %dma_start3A_350] : memref<3x8x4096xf32, #tpu.memory_space<vmem>> -> memref<1x8x4096xf32, #tpu.memory_space<vmem>>
        %dma_start3A_352 = tpu.memref_squeeze %dma_start3A_351 : memref<1x8x4096xf32, #tpu.memory_space<vmem>> -> memref<8x4096xf32, #tpu.memory_space<vmem>>
        %dma_start3A_353 = tpu.memref_slice %arg5[%mul3A_346] : memref<256xi32, #tpu.memory_space<vmem>> -> memref<8xi32, #tpu.memory_space<vmem>>
        %dma_start3A_354 = arith.constant 0 : i32
        %dma_start3A_355 = arith.constant 0 : i32
        %dma_start3A_356 = tpu.memref_slice %arg3[%dma_start3A_354, %dma_start3A_355] : memref<50400x4096xf32, #tpu.memory_space<hbm>> -> memref<50400x4096xf32, #tpu.memory_space<hbm>>
        %dma_start3A_357 = tpu.memref_slice %arg7[%dma_start3A_348] : memref<3x!tpu.dma_semaphore, #tpu.memory_space<semaphore_mem>> -> memref<1x!tpu.dma_semaphore, #tpu.memory_space<semaphore_mem>>
        %dma_start3A_358 = tpu.memref_squeeze %dma_start3A_357 : memref<1x!tpu.dma_semaphore, #tpu.memory_space<semaphore_mem>> -> memref<!tpu.dma_semaphore, #tpu.memory_space<semaphore_mem>>
        tpu.enqueue_indirect_dma source(%dma_start3A_356 : memref<50400x4096xf32, #tpu.memory_space<hbm>>) target(%dma_start3A_352 : memref<8x4096xf32, #tpu.memory_space<vmem>>) offsets(%dma_start3A_353 : memref<8xi32, #tpu.memory_space<vmem>>) semaphore(%dma_start3A_358 : memref<!tpu.dma_semaphore, #tpu.memory_space<semaphore_mem>>)
      } else {
      }
      %dma_wait3A_256 = arith.constant 1 : i32
      %dma_wait3A_257 = arith.constant 1 : i32
      %dma_wait3A_258 = arith.constant 0 : i32
      %dma_wait3A_259 = arith.constant 0 : i32
      %dma_wait3A_260 = tpu.memref_slice %arg6[%dma_wait3A_256, %dma_wait3A_258, %dma_wait3A_259] : memref<3x8x4096xf32, #tpu.memory_space<vmem>> -> memref<1x8x4096xf32, #tpu.memory_space<vmem>>
      %dma_wait3A_261 = tpu.memref_squeeze %dma_wait3A_260 : memref<1x8x4096xf32, #tpu.memory_space<vmem>> -> memref<8x4096xf32, #tpu.memory_space<vmem>>
      %dma_wait3A_262 = arith.constant 0 : i32
      %dma_wait3A_263 = tpu.memref_slice %arg5[%dma_wait3A_262] : memref<256xi32, #tpu.memory_space<vmem>> -> memref<8xi32, #tpu.memory_space<vmem>>
      %dma_wait3A_264 = arith.constant 0 : i32
      %dma_wait3A_265 = arith.constant 0 : i32
      %dma_wait3A_266 = tpu.memref_slice %arg3[%dma_wait3A_264, %dma_wait3A_265] : memref<50400x4096xf32, #tpu.memory_space<hbm>> -> memref<50400x4096xf32, #tpu.memory_space<hbm>>
      %dma_wait3A_267 = tpu.memref_slice %arg7[%dma_wait3A_257] : memref<3x!tpu.dma_semaphore, #tpu.memory_space<semaphore_mem>> -> memref<1x!tpu.dma_semaphore, #tpu.memory_space<semaphore_mem>>
      %dma_wait3A_268 = tpu.memref_squeeze %dma_wait3A_267 : memref<1x!tpu.dma_semaphore, #tpu.memory_space<semaphore_mem>> -> memref<!tpu.dma_semaphore, #tpu.memory_space<semaphore_mem>>
      tpu.wait_indirect_dma semaphore(%dma_wait3A_268 : memref<!tpu.dma_semaphore, #tpu.memory_space<semaphore_mem>>) src(%dma_wait3A_266 : memref<50400x4096xf32, #tpu.memory_space<hbm>>) dst(%dma_wait3A_261 : memref<8x4096xf32, #tpu.memory_space<vmem>>)
      %mul3A_269 = arith.constant 8 : i32
      %mul3A_270 = arith.muli %add3A_238, %mul3A_269 : i32
      %add3A_271 = arith.addi %mul3A_32, %mul3A_270 : i32
      %dma_start3A_272 = arith.constant 1 : i32
      %dma_start3A_273 = arith.constant 1 : i32
      %dma_start3A_274 = arith.constant 0 : i32
      %dma_start3A_275 = arith.constant 0 : i32
      %dma_start3A_276 = tpu.memref_slice %arg6[%dma_start3A_272, %dma_start3A_274, %dma_start3A_275] : memref<3x8x4096xf32, #tpu.memory_space<vmem>> -> memref<1x8x4096xf32, #tpu.memory_space<vmem>>
      %dma_start3A_277 = tpu.memref_squeeze %dma_start3A_276 : memref<1x8x4096xf32, #tpu.memory_space<vmem>> -> memref<8x4096xf32, #tpu.memory_space<vmem>>
      %dma_start3A_278 = arith.constant 0 : i32
      %dma_start3A_279 = tpu.memref_slice %arg4[%select_n3A, %add3A_271, %dma_start3A_278] : memref<4x2048x4096xf32, #tpu.memory_space<hbm>> -> memref<1x8x4096xf32, #tpu.memory_space<hbm>>
      %dma_start3A_280 = tpu.memref_squeeze %dma_start3A_279 : memref<1x8x4096xf32, #tpu.memory_space<hbm>> -> memref<8x4096xf32, #tpu.memory_space<hbm>>
      %dma_start3A_281 = tpu.memref_slice %arg8[%dma_start3A_273] : memref<3x!tpu.dma_semaphore, #tpu.memory_space<semaphore_mem>> -> memref<1x!tpu.dma_semaphore, #tpu.memory_space<semaphore_mem>>
      %dma_start3A_282 = tpu.memref_squeeze %dma_start3A_281 : memref<1x!tpu.dma_semaphore, #tpu.memory_space<semaphore_mem>> -> memref<!tpu.dma_semaphore, #tpu.memory_space<semaphore_mem>>
      %dma_start3A_283 = arith.constant 0 : i32
      %dma_start3A_284 = tpu.memref_slice %arg4[%select_n3A, %add3A_271, %dma_start3A_283] : memref<4x2048x4096xf32, #tpu.memory_space<hbm>> -> memref<1x8x4096xf32, #tpu.memory_space<hbm>>
      %dma_start3A_285 = tpu.memref_squeeze %dma_start3A_284 : memref<1x8x4096xf32, #tpu.memory_space<hbm>> -> memref<8x4096xf32, #tpu.memory_space<hbm>>
      %dma_start3A_286 = arith.constant 0 : i32
      %dma_start3A_287 = arith.constant 0 : i32
      %dma_start3A_288 = tpu.memref_slice %arg6[%dma_start3A_272, %dma_start3A_286, %dma_start3A_287] : memref<3x8x4096xf32, #tpu.memory_space<vmem>> -> memref<1x8x4096xf32, #tpu.memory_space<vmem>>
      %dma_start3A_289 = tpu.memref_squeeze %dma_start3A_288 : memref<1x8x4096xf32, #tpu.memory_space<vmem>> -> memref<8x4096xf32, #tpu.memory_space<vmem>>
      tpu.enqueue_dma source(%dma_start3A_289 : memref<8x4096xf32, #tpu.memory_space<vmem>>) target(%dma_start3A_285 : memref<8x4096xf32, #tpu.memory_space<hbm>>) target_semaphore(%dma_start3A_282 : memref<!tpu.dma_semaphore, #tpu.memory_space<semaphore_mem>>)
      %mul3A_290 = arith.constant 3 : i32
      %mul3A_291 = arith.muli %scan3A_182, %mul3A_290 : i32
      %add3A_292 = arith.constant 2 : i32
      %add3A_293 = arith.addi %mul3A_291, %add3A_292 : i32
      %add3A_294 = arith.constant 2 : i32
      %add3A_295 = arith.addi %add3A_293, %add3A_294 : i32
      %sub3A_296 = arith.constant 3 : i32
      %sub3A_297 = arith.subi %add3A_295, %sub3A_296 : i32
      %ge3A_298 = arith.constant 0 : i32
      %ge3A_299 = arith.cmpi sge, %sub3A_297, %ge3A_298 : i32
      %lt3A_300 = arith.constant 32 : i32
      %lt3A_301 = arith.cmpi slt, %add3A_295, %lt3A_300 : i32
      %and3A_302 = arith.andi %ge3A_299, %lt3A_301 : i1
      %convert_element_type3A_303 = arith.extui %and3A_302 : i1 to i32
      %cond3A_304 = arith.constant 0 : i32
      %cond3A_305 = arith.cmpi ne, %convert_element_type3A_303, %cond3A_304 : i32
      scf.if %cond3A_305 {
        %dma_wait3A_345 = arith.constant 1 : i32
        %dma_wait3A_346 = arith.constant 1 : i32
        %dma_wait3A_347 = arith.constant 0 : i32
        %dma_wait3A_348 = arith.constant 0 : i32
        %dma_wait3A_349 = tpu.memref_slice %arg6[%dma_wait3A_345, %dma_wait3A_347, %dma_wait3A_348] : memref<3x8x4096xf32, #tpu.memory_space<vmem>> -> memref<1x8x4096xf32, #tpu.memory_space<vmem>>
        %dma_wait3A_350 = tpu.memref_squeeze %dma_wait3A_349 : memref<1x8x4096xf32, #tpu.memory_space<vmem>> -> memref<8x4096xf32, #tpu.memory_space<vmem>>
        %dma_wait3A_351 = arith.constant 0 : i32
        %dma_wait3A_352 = tpu.memref_slice %arg4[%select_n3A, %mul3A_32, %dma_wait3A_351] : memref<4x2048x4096xf32, #tpu.memory_space<hbm>> -> memref<1x8x4096xf32, #tpu.memory_space<hbm>>
        %dma_wait3A_353 = tpu.memref_squeeze %dma_wait3A_352 : memref<1x8x4096xf32, #tpu.memory_space<hbm>> -> memref<8x4096xf32, #tpu.memory_space<hbm>>
        %dma_wait3A_354 = tpu.memref_slice %arg8[%dma_wait3A_346] : memref<3x!tpu.dma_semaphore, #tpu.memory_space<semaphore_mem>> -> memref<1x!tpu.dma_semaphore, #tpu.memory_space<semaphore_mem>>
        %dma_wait3A_355 = tpu.memref_squeeze %dma_wait3A_354 : memref<1x!tpu.dma_semaphore, #tpu.memory_space<semaphore_mem>> -> memref<!tpu.dma_semaphore, #tpu.memory_space<semaphore_mem>>
        %dma_wait3A_356 = arith.constant 0 : i32
        %dma_wait3A_357 = tpu.memref_slice %arg4[%select_n3A, %mul3A_32, %dma_wait3A_356] : memref<4x2048x4096xf32, #tpu.memory_space<hbm>> -> memref<1x8x4096xf32, #tpu.memory_space<hbm>>
        %dma_wait3A_358 = tpu.memref_squeeze %dma_wait3A_357 : memref<1x8x4096xf32, #tpu.memory_space<hbm>> -> memref<8x4096xf32, #tpu.memory_space<hbm>>
        %dma_wait3A_359 = arith.constant 0 : i32
        %dma_wait3A_360 = arith.constant 0 : i32
        %dma_wait3A_361 = tpu.memref_slice %arg6[%dma_wait3A_345, %dma_wait3A_359, %dma_wait3A_360] : memref<3x8x4096xf32, #tpu.memory_space<vmem>> -> memref<1x8x4096xf32, #tpu.memory_space<vmem>>
        %dma_wait3A_362 = tpu.memref_squeeze %dma_wait3A_361 : memref<1x8x4096xf32, #tpu.memory_space<vmem>> -> memref<8x4096xf32, #tpu.memory_space<vmem>>
        tpu.wait_dma2 semaphore(%dma_wait3A_355 : memref<!tpu.dma_semaphore, #tpu.memory_space<semaphore_mem>>) src(%dma_wait3A_362 : memref<8x4096xf32, #tpu.memory_space<vmem>>) dst(%dma_wait3A_358 : memref<8x4096xf32, #tpu.memory_space<hbm>>)
      } else {
      }
      %lt3A_306 = arith.constant 32 : i32
      %lt3A_307 = arith.cmpi slt, %add3A_295, %lt3A_306 : i32
      %convert_element_type3A_308 = arith.extui %lt3A_307 : i1 to i32
      %cond3A_309 = arith.constant 0 : i32
      %cond3A_310 = arith.cmpi ne, %convert_element_type3A_308, %cond3A_309 : i32
      scf.if %cond3A_310 {
        %mul3A_345 = arith.constant 8 : i32
        %mul3A_346 = arith.muli %add3A_295, %mul3A_345 : i32
        %dma_start3A_347 = arith.constant 1 : i32
        %dma_start3A_348 = arith.constant 1 : i32
        %dma_start3A_349 = arith.constant 0 : i32
        %dma_start3A_350 = arith.constant 0 : i32
        %dma_start3A_351 = tpu.memref_slice %arg6[%dma_start3A_347, %dma_start3A_349, %dma_start3A_350] : memref<3x8x4096xf32, #tpu.memory_space<vmem>> -> memref<1x8x4096xf32, #tpu.memory_space<vmem>>
        %dma_start3A_352 = tpu.memref_squeeze %dma_start3A_351 : memref<1x8x4096xf32, #tpu.memory_space<vmem>> -> memref<8x4096xf32, #tpu.memory_space<vmem>>
        %dma_start3A_353 = tpu.memref_slice %arg5[%mul3A_346] : memref<256xi32, #tpu.memory_space<vmem>> -> memref<8xi32, #tpu.memory_space<vmem>>
        %dma_start3A_354 = arith.constant 0 : i32
        %dma_start3A_355 = arith.constant 0 : i32
        %dma_start3A_356 = tpu.memref_slice %arg3[%dma_start3A_354, %dma_start3A_355] : memref<50400x4096xf32, #tpu.memory_space<hbm>> -> memref<50400x4096xf32, #tpu.memory_space<hbm>>
        %dma_start3A_357 = tpu.memref_slice %arg7[%dma_start3A_348] : memref<3x!tpu.dma_semaphore, #tpu.memory_space<semaphore_mem>> -> memref<1x!tpu.dma_semaphore, #tpu.memory_space<semaphore_mem>>
        %dma_start3A_358 = tpu.memref_squeeze %dma_start3A_357 : memref<1x!tpu.dma_semaphore, #tpu.memory_space<semaphore_mem>> -> memref<!tpu.dma_semaphore, #tpu.memory_space<semaphore_mem>>
        tpu.enqueue_indirect_dma source(%dma_start3A_356 : memref<50400x4096xf32, #tpu.memory_space<hbm>>) target(%dma_start3A_352 : memref<8x4096xf32, #tpu.memory_space<vmem>>) offsets(%dma_start3A_353 : memref<8xi32, #tpu.memory_space<vmem>>) semaphore(%dma_start3A_358 : memref<!tpu.dma_semaphore, #tpu.memory_space<semaphore_mem>>)
      } else {
      }
      %dma_wait3A_311 = arith.constant 2 : i32
      %dma_wait3A_312 = arith.constant 2 : i32
      %dma_wait3A_313 = arith.constant 0 : i32
      %dma_wait3A_314 = arith.constant 0 : i32
      %dma_wait3A_315 = tpu.memref_slice %arg6[%dma_wait3A_311, %dma_wait3A_313, %dma_wait3A_314] : memref<3x8x4096xf32, #tpu.memory_space<vmem>> -> memref<1x8x4096xf32, #tpu.memory_space<vmem>>
      %dma_wait3A_316 = tpu.memref_squeeze %dma_wait3A_315 : memref<1x8x4096xf32, #tpu.memory_space<vmem>> -> memref<8x4096xf32, #tpu.memory_space<vmem>>
      %dma_wait3A_317 = arith.constant 0 : i32
      %dma_wait3A_318 = tpu.memref_slice %arg5[%dma_wait3A_317] : memref<256xi32, #tpu.memory_space<vmem>> -> memref<8xi32, #tpu.memory_space<vmem>>
      %dma_wait3A_319 = arith.constant 0 : i32
      %dma_wait3A_320 = arith.constant 0 : i32
      %dma_wait3A_321 = tpu.memref_slice %arg3[%dma_wait3A_319, %dma_wait3A_320] : memref<50400x4096xf32, #tpu.memory_space<hbm>> -> memref<50400x4096xf32, #tpu.memory_space<hbm>>
      %dma_wait3A_322 = tpu.memref_slice %arg7[%dma_wait3A_312] : memref<3x!tpu.dma_semaphore, #tpu.memory_space<semaphore_mem>> -> memref<1x!tpu.dma_semaphore, #tpu.memory_space<semaphore_mem>>
      %dma_wait3A_323 = tpu.memref_squeeze %dma_wait3A_322 : memref<1x!tpu.dma_semaphore, #tpu.memory_space<semaphore_mem>> -> memref<!tpu.dma_semaphore, #tpu.memory_space<semaphore_mem>>
      tpu.wait_indirect_dma semaphore(%dma_wait3A_323 : memref<!tpu.dma_semaphore, #tpu.memory_space<semaphore_mem>>) src(%dma_wait3A_321 : memref<50400x4096xf32, #tpu.memory_space<hbm>>) dst(%dma_wait3A_316 : memref<8x4096xf32, #tpu.memory_space<vmem>>)
      %mul3A_324 = arith.constant 8 : i32
      %mul3A_325 = arith.muli %add3A_293, %mul3A_324 : i32
      %add3A_326 = arith.addi %mul3A_32, %mul3A_325 : i32
      %dma_start3A_327 = arith.constant 2 : i32
      %dma_start3A_328 = arith.constant 2 : i32
      %dma_start3A_329 = arith.constant 0 : i32
      %dma_start3A_330 = arith.constant 0 : i32
      %dma_start3A_331 = tpu.memref_slice %arg6[%dma_start3A_327, %dma_start3A_329, %dma_start3A_330] : memref<3x8x4096xf32, #tpu.memory_space<vmem>> -> memref<1x8x4096xf32, #tpu.memory_space<vmem>>
      %dma_start3A_332 = tpu.memref_squeeze %dma_start3A_331 : memref<1x8x4096xf32, #tpu.memory_space<vmem>> -> memref<8x4096xf32, #tpu.memory_space<vmem>>
      %dma_start3A_333 = arith.constant 0 : i32
      %dma_start3A_334 = tpu.memref_slice %arg4[%select_n3A, %add3A_326, %dma_start3A_333] : memref<4x2048x4096xf32, #tpu.memory_space<hbm>> -> memref<1x8x4096xf32, #tpu.memory_space<hbm>>
      %dma_start3A_335 = tpu.memref_squeeze %dma_start3A_334 : memref<1x8x4096xf32, #tpu.memory_space<hbm>> -> memref<8x4096xf32, #tpu.memory_space<hbm>>
      %dma_start3A_336 = tpu.memref_slice %arg8[%dma_start3A_328] : memref<3x!tpu.dma_semaphore, #tpu.memory_space<semaphore_mem>> -> memref<1x!tpu.dma_semaphore, #tpu.memory_space<semaphore_mem>>
      %dma_start3A_337 = tpu.memref_squeeze %dma_start3A_336 : memref<1x!tpu.dma_semaphore, #tpu.memory_space<semaphore_mem>> -> memref<!tpu.dma_semaphore, #tpu.memory_space<semaphore_mem>>
      %dma_start3A_338 = arith.constant 0 : i32
      %dma_start3A_339 = tpu.memref_slice %arg4[%select_n3A, %add3A_326, %dma_start3A_338] : memref<4x2048x4096xf32, #tpu.memory_space<hbm>> -> memref<1x8x4096xf32, #tpu.memory_space<hbm>>
      %dma_start3A_340 = tpu.memref_squeeze %dma_start3A_339 : memref<1x8x4096xf32, #tpu.memory_space<hbm>> -> memref<8x4096xf32, #tpu.memory_space<hbm>>
      %dma_start3A_341 = arith.constant 0 : i32
      %dma_start3A_342 = arith.constant 0 : i32
      %dma_start3A_343 = tpu.memref_slice %arg6[%dma_start3A_327, %dma_start3A_341, %dma_start3A_342] : memref<3x8x4096xf32, #tpu.memory_space<vmem>> -> memref<1x8x4096xf32, #tpu.memory_space<vmem>>
      %dma_start3A_344 = tpu.memref_squeeze %dma_start3A_343 : memref<1x8x4096xf32, #tpu.memory_space<vmem>> -> memref<8x4096xf32, #tpu.memory_space<vmem>>
      tpu.enqueue_dma source(%dma_start3A_344 : memref<8x4096xf32, #tpu.memory_space<vmem>>) target(%dma_start3A_340 : memref<8x4096xf32, #tpu.memory_space<hbm>>) target_semaphore(%dma_start3A_337 : memref<!tpu.dma_semaphore, #tpu.memory_space<semaphore_mem>>)
    }
    %scan3A_62 = arith.constant 10 : i32
    %dma_wait3A = arith.constant 0 : i32
    %dma_wait3A_63 = arith.constant 0 : i32
    %dma_wait3A_64 = arith.constant 0 : i32
    %dma_wait3A_65 = arith.constant 0 : i32
    %dma_wait3A_66 = tpu.memref_slice %arg6[%dma_wait3A, %dma_wait3A_64, %dma_wait3A_65] : memref<3x8x4096xf32, #tpu.memory_space<vmem>> -> memref<1x8x4096xf32, #tpu.memory_space<vmem>>
    %dma_wait3A_67 = tpu.memref_squeeze %dma_wait3A_66 : memref<1x8x4096xf32, #tpu.memory_space<vmem>> -> memref<8x4096xf32, #tpu.memory_space<vmem>>
    %dma_wait3A_68 = arith.constant 0 : i32
    %dma_wait3A_69 = tpu.memref_slice %arg5[%dma_wait3A_68] : memref<256xi32, #tpu.memory_space<vmem>> -> memref<8xi32, #tpu.memory_space<vmem>>
    %dma_wait3A_70 = arith.constant 0 : i32
    %dma_wait3A_71 = arith.constant 0 : i32
    %dma_wait3A_72 = tpu.memref_slice %arg3[%dma_wait3A_70, %dma_wait3A_71] : memref<50400x4096xf32, #tpu.memory_space<hbm>> -> memref<50400x4096xf32, #tpu.memory_space<hbm>>
    %dma_wait3A_73 = tpu.memref_slice %arg7[%dma_wait3A_63] : memref<3x!tpu.dma_semaphore, #tpu.memory_space<semaphore_mem>> -> memref<1x!tpu.dma_semaphore, #tpu.memory_space<semaphore_mem>>
    %dma_wait3A_74 = tpu.memref_squeeze %dma_wait3A_73 : memref<1x!tpu.dma_semaphore, #tpu.memory_space<semaphore_mem>> -> memref<!tpu.dma_semaphore, #tpu.memory_space<semaphore_mem>>
    tpu.wait_indirect_dma semaphore(%dma_wait3A_74 : memref<!tpu.dma_semaphore, #tpu.memory_space<semaphore_mem>>) src(%dma_wait3A_72 : memref<50400x4096xf32, #tpu.memory_space<hbm>>) dst(%dma_wait3A_67 : memref<8x4096xf32, #tpu.memory_space<vmem>>)
    %add3A_75 = arith.constant 240 : i32
    %add3A_76 = arith.addi %mul3A_32, %add3A_75 : i32
    %dma_start3A_77 = arith.constant 0 : i32
    %dma_start3A_78 = arith.constant 0 : i32
    %dma_start3A_79 = arith.constant 0 : i32
    %dma_start3A_80 = arith.constant 0 : i32
    %dma_start3A_81 = tpu.memref_slice %arg6[%dma_start3A_77, %dma_start3A_79, %dma_start3A_80] : memref<3x8x4096xf32, #tpu.memory_space<vmem>> -> memref<1x8x4096xf32, #tpu.memory_space<vmem>>
    %dma_start3A_82 = tpu.memref_squeeze %dma_start3A_81 : memref<1x8x4096xf32, #tpu.memory_space<vmem>> -> memref<8x4096xf32, #tpu.memory_space<vmem>>
    %dma_start3A_83 = arith.constant 0 : i32
    %dma_start3A_84 = tpu.memref_slice %arg4[%select_n3A, %add3A_76, %dma_start3A_83] : memref<4x2048x4096xf32, #tpu.memory_space<hbm>> -> memref<1x8x4096xf32, #tpu.memory_space<hbm>>
    %dma_start3A_85 = tpu.memref_squeeze %dma_start3A_84 : memref<1x8x4096xf32, #tpu.memory_space<hbm>> -> memref<8x4096xf32, #tpu.memory_space<hbm>>
    %dma_start3A_86 = tpu.memref_slice %arg8[%dma_start3A_78] : memref<3x!tpu.dma_semaphore, #tpu.memory_space<semaphore_mem>> -> memref<1x!tpu.dma_semaphore, #tpu.memory_space<semaphore_mem>>
    %dma_start3A_87 = tpu.memref_squeeze %dma_start3A_86 : memref<1x!tpu.dma_semaphore, #tpu.memory_space<semaphore_mem>> -> memref<!tpu.dma_semaphore, #tpu.memory_space<semaphore_mem>>
    %dma_start3A_88 = arith.constant 0 : i32
    %dma_start3A_89 = tpu.memref_slice %arg4[%select_n3A, %add3A_76, %dma_start3A_88] : memref<4x2048x4096xf32, #tpu.memory_space<hbm>> -> memref<1x8x4096xf32, #tpu.memory_space<hbm>>
    %dma_start3A_90 = tpu.memref_squeeze %dma_start3A_89 : memref<1x8x4096xf32, #tpu.memory_space<hbm>> -> memref<8x4096xf32, #tpu.memory_space<hbm>>
    %dma_start3A_91 = arith.constant 0 : i32
    %dma_start3A_92 = arith.constant 0 : i32
    %dma_start3A_93 = tpu.memref_slice %arg6[%dma_start3A_77, %dma_start3A_91, %dma_start3A_92] : memref<3x8x4096xf32, #tpu.memory_space<vmem>> -> memref<1x8x4096xf32, #tpu.memory_space<vmem>>
    %dma_start3A_94 = tpu.memref_squeeze %dma_start3A_93 : memref<1x8x4096xf32, #tpu.memory_space<vmem>> -> memref<8x4096xf32, #tpu.memory_space<vmem>>
    tpu.enqueue_dma source(%dma_start3A_94 : memref<8x4096xf32, #tpu.memory_space<vmem>>) target(%dma_start3A_90 : memref<8x4096xf32, #tpu.memory_space<hbm>>) target_semaphore(%dma_start3A_87 : memref<!tpu.dma_semaphore, #tpu.memory_space<semaphore_mem>>)
    %dma_wait3A_95 = arith.constant 1 : i32
    %dma_wait3A_96 = arith.constant 1 : i32
    %dma_wait3A_97 = arith.constant 0 : i32
    %dma_wait3A_98 = arith.constant 0 : i32
    %dma_wait3A_99 = tpu.memref_slice %arg6[%dma_wait3A_95, %dma_wait3A_97, %dma_wait3A_98] : memref<3x8x4096xf32, #tpu.memory_space<vmem>> -> memref<1x8x4096xf32, #tpu.memory_space<vmem>>
    %dma_wait3A_100 = tpu.memref_squeeze %dma_wait3A_99 : memref<1x8x4096xf32, #tpu.memory_space<vmem>> -> memref<8x4096xf32, #tpu.memory_space<vmem>>
    %dma_wait3A_101 = arith.constant 0 : i32
    %dma_wait3A_102 = tpu.memref_slice %arg5[%dma_wait3A_101] : memref<256xi32, #tpu.memory_space<vmem>> -> memref<8xi32, #tpu.memory_space<vmem>>
    %dma_wait3A_103 = arith.constant 0 : i32
    %dma_wait3A_104 = arith.constant 0 : i32
    %dma_wait3A_105 = tpu.memref_slice %arg3[%dma_wait3A_103, %dma_wait3A_104] : memref<50400x4096xf32, #tpu.memory_space<hbm>> -> memref<50400x4096xf32, #tpu.memory_space<hbm>>
    %dma_wait3A_106 = tpu.memref_slice %arg7[%dma_wait3A_96] : memref<3x!tpu.dma_semaphore, #tpu.memory_space<semaphore_mem>> -> memref<1x!tpu.dma_semaphore, #tpu.memory_space<semaphore_mem>>
    %dma_wait3A_107 = tpu.memref_squeeze %dma_wait3A_106 : memref<1x!tpu.dma_semaphore, #tpu.memory_space<semaphore_mem>> -> memref<!tpu.dma_semaphore, #tpu.memory_space<semaphore_mem>>
    tpu.wait_indirect_dma semaphore(%dma_wait3A_107 : memref<!tpu.dma_semaphore, #tpu.memory_space<semaphore_mem>>) src(%dma_wait3A_105 : memref<50400x4096xf32, #tpu.memory_space<hbm>>) dst(%dma_wait3A_100 : memref<8x4096xf32, #tpu.memory_space<vmem>>)
    %add3A_108 = arith.constant 248 : i32
    %add3A_109 = arith.addi %mul3A_32, %add3A_108 : i32
    %dma_start3A_110 = arith.constant 1 : i32
    %dma_start3A_111 = arith.constant 1 : i32
    %dma_start3A_112 = arith.constant 0 : i32
    %dma_start3A_113 = arith.constant 0 : i32
    %dma_start3A_114 = tpu.memref_slice %arg6[%dma_start3A_110, %dma_start3A_112, %dma_start3A_113] : memref<3x8x4096xf32, #tpu.memory_space<vmem>> -> memref<1x8x4096xf32, #tpu.memory_space<vmem>>
    %dma_start3A_115 = tpu.memref_squeeze %dma_start3A_114 : memref<1x8x4096xf32, #tpu.memory_space<vmem>> -> memref<8x4096xf32, #tpu.memory_space<vmem>>
    %dma_start3A_116 = arith.constant 0 : i32
    %dma_start3A_117 = tpu.memref_slice %arg4[%select_n3A, %add3A_109, %dma_start3A_116] : memref<4x2048x4096xf32, #tpu.memory_space<hbm>> -> memref<1x8x4096xf32, #tpu.memory_space<hbm>>
    %dma_start3A_118 = tpu.memref_squeeze %dma_start3A_117 : memref<1x8x4096xf32, #tpu.memory_space<hbm>> -> memref<8x4096xf32, #tpu.memory_space<hbm>>
    %dma_start3A_119 = tpu.memref_slice %arg8[%dma_start3A_111] : memref<3x!tpu.dma_semaphore, #tpu.memory_space<semaphore_mem>> -> memref<1x!tpu.dma_semaphore, #tpu.memory_space<semaphore_mem>>
    %dma_start3A_120 = tpu.memref_squeeze %dma_start3A_119 : memref<1x!tpu.dma_semaphore, #tpu.memory_space<semaphore_mem>> -> memref<!tpu.dma_semaphore, #tpu.memory_space<semaphore_mem>>
    %dma_start3A_121 = arith.constant 0 : i32
    %dma_start3A_122 = tpu.memref_slice %arg4[%select_n3A, %add3A_109, %dma_start3A_121] : memref<4x2048x4096xf32, #tpu.memory_space<hbm>> -> memref<1x8x4096xf32, #tpu.memory_space<hbm>>
    %dma_start3A_123 = tpu.memref_squeeze %dma_start3A_122 : memref<1x8x4096xf32, #tpu.memory_space<hbm>> -> memref<8x4096xf32, #tpu.memory_space<hbm>>
    %dma_start3A_124 = arith.constant 0 : i32
    %dma_start3A_125 = arith.constant 0 : i32
    %dma_start3A_126 = tpu.memref_slice %arg6[%dma_start3A_110, %dma_start3A_124, %dma_start3A_125] : memref<3x8x4096xf32, #tpu.memory_space<vmem>> -> memref<1x8x4096xf32, #tpu.memory_space<vmem>>
    %dma_start3A_127 = tpu.memref_squeeze %dma_start3A_126 : memref<1x8x4096xf32, #tpu.memory_space<vmem>> -> memref<8x4096xf32, #tpu.memory_space<vmem>>
    tpu.enqueue_dma source(%dma_start3A_127 : memref<8x4096xf32, #tpu.memory_space<vmem>>) target(%dma_start3A_123 : memref<8x4096xf32, #tpu.memory_space<hbm>>) target_semaphore(%dma_start3A_120 : memref<!tpu.dma_semaphore, #tpu.memory_space<semaphore_mem>>)
    %dma_wait3A_128 = arith.constant 2 : i32
    %dma_wait3A_129 = arith.constant 2 : i32
    %dma_wait3A_130 = arith.constant 0 : i32
    %dma_wait3A_131 = arith.constant 0 : i32
    %dma_wait3A_132 = tpu.memref_slice %arg6[%dma_wait3A_128, %dma_wait3A_130, %dma_wait3A_131] : memref<3x8x4096xf32, #tpu.memory_space<vmem>> -> memref<1x8x4096xf32, #tpu.memory_space<vmem>>
    %dma_wait3A_133 = tpu.memref_squeeze %dma_wait3A_132 : memref<1x8x4096xf32, #tpu.memory_space<vmem>> -> memref<8x4096xf32, #tpu.memory_space<vmem>>
    %dma_wait3A_134 = arith.constant 0 : i32
    %dma_wait3A_135 = tpu.memref_slice %arg4[%select_n3A, %mul3A_32, %dma_wait3A_134] : memref<4x2048x4096xf32, #tpu.memory_space<hbm>> -> memref<1x8x4096xf32, #tpu.memory_space<hbm>>
    %dma_wait3A_136 = tpu.memref_squeeze %dma_wait3A_135 : memref<1x8x4096xf32, #tpu.memory_space<hbm>> -> memref<8x4096xf32, #tpu.memory_space<hbm>>
    %dma_wait3A_137 = tpu.memref_slice %arg8[%dma_wait3A_129] : memref<3x!tpu.dma_semaphore, #tpu.memory_space<semaphore_mem>> -> memref<1x!tpu.dma_semaphore, #tpu.memory_space<semaphore_mem>>
    %dma_wait3A_138 = tpu.memref_squeeze %dma_wait3A_137 : memref<1x!tpu.dma_semaphore, #tpu.memory_space<semaphore_mem>> -> memref<!tpu.dma_semaphore, #tpu.memory_space<semaphore_mem>>
    %dma_wait3A_139 = arith.constant 0 : i32
    %dma_wait3A_140 = tpu.memref_slice %arg4[%select_n3A, %mul3A_32, %dma_wait3A_139] : memref<4x2048x4096xf32, #tpu.memory_space<hbm>> -> memref<1x8x4096xf32, #tpu.memory_space<hbm>>
    %dma_wait3A_141 = tpu.memref_squeeze %dma_wait3A_140 : memref<1x8x4096xf32, #tpu.memory_space<hbm>> -> memref<8x4096xf32, #tpu.memory_space<hbm>>
    %dma_wait3A_142 = arith.constant 0 : i32
    %dma_wait3A_143 = arith.constant 0 : i32
    %dma_wait3A_144 = tpu.memref_slice %arg6[%dma_wait3A_128, %dma_wait3A_142, %dma_wait3A_143] : memref<3x8x4096xf32, #tpu.memory_space<vmem>> -> memref<1x8x4096xf32, #tpu.memory_space<vmem>>
    %dma_wait3A_145 = tpu.memref_squeeze %dma_wait3A_144 : memref<1x8x4096xf32, #tpu.memory_space<vmem>> -> memref<8x4096xf32, #tpu.memory_space<vmem>>
    tpu.wait_dma2 semaphore(%dma_wait3A_138 : memref<!tpu.dma_semaphore, #tpu.memory_space<semaphore_mem>>) src(%dma_wait3A_145 : memref<8x4096xf32, #tpu.memory_space<vmem>>) dst(%dma_wait3A_141 : memref<8x4096xf32, #tpu.memory_space<hbm>>)
    %dma_wait3A_146 = arith.constant 0 : i32
    %dma_wait3A_147 = arith.constant 0 : i32
    %dma_wait3A_148 = arith.constant 0 : i32
    %dma_wait3A_149 = arith.constant 0 : i32
    %dma_wait3A_150 = tpu.memref_slice %arg6[%dma_wait3A_146, %dma_wait3A_148, %dma_wait3A_149] : memref<3x8x4096xf32, #tpu.memory_space<vmem>> -> memref<1x8x4096xf32, #tpu.memory_space<vmem>>
    %dma_wait3A_151 = tpu.memref_squeeze %dma_wait3A_150 : memref<1x8x4096xf32, #tpu.memory_space<vmem>> -> memref<8x4096xf32, #tpu.memory_space<vmem>>
    %dma_wait3A_152 = arith.constant 0 : i32
    %dma_wait3A_153 = tpu.memref_slice %arg4[%select_n3A, %mul3A_32, %dma_wait3A_152] : memref<4x2048x4096xf32, #tpu.memory_space<hbm>> -> memref<1x8x4096xf32, #tpu.memory_space<hbm>>
    %dma_wait3A_154 = tpu.memref_squeeze %dma_wait3A_153 : memref<1x8x4096xf32, #tpu.memory_space<hbm>> -> memref<8x4096xf32, #tpu.memory_space<hbm>>
    %dma_wait3A_155 = tpu.memref_slice %arg8[%dma_wait3A_147] : memref<3x!tpu.dma_semaphore, #tpu.memory_space<semaphore_mem>> -> memref<1x!tpu.dma_semaphore, #tpu.memory_space<semaphore_mem>>
    %dma_wait3A_156 = tpu.memref_squeeze %dma_wait3A_155 : memref<1x!tpu.dma_semaphore, #tpu.memory_space<semaphore_mem>> -> memref<!tpu.dma_semaphore, #tpu.memory_space<semaphore_mem>>
    %dma_wait3A_157 = arith.constant 0 : i32
    %dma_wait3A_158 = tpu.memref_slice %arg4[%select_n3A, %mul3A_32, %dma_wait3A_157] : memref<4x2048x4096xf32, #tpu.memory_space<hbm>> -> memref<1x8x4096xf32, #tpu.memory_space<hbm>>
    %dma_wait3A_159 = tpu.memref_squeeze %dma_wait3A_158 : memref<1x8x4096xf32, #tpu.memory_space<hbm>> -> memref<8x4096xf32, #tpu.memory_space<hbm>>
    %dma_wait3A_160 = arith.constant 0 : i32
    %dma_wait3A_161 = arith.constant 0 : i32
    %dma_wait3A_162 = tpu.memref_slice %arg6[%dma_wait3A_146, %dma_wait3A_160, %dma_wait3A_161] : memref<3x8x4096xf32, #tpu.memory_space<vmem>> -> memref<1x8x4096xf32, #tpu.memory_space<vmem>>
    %dma_wait3A_163 = tpu.memref_squeeze %dma_wait3A_162 : memref<1x8x4096xf32, #tpu.memory_space<vmem>> -> memref<8x4096xf32, #tpu.memory_space<vmem>>
    tpu.wait_dma2 semaphore(%dma_wait3A_156 : memref<!tpu.dma_semaphore, #tpu.memory_space<semaphore_mem>>) src(%dma_wait3A_163 : memref<8x4096xf32, #tpu.memory_space<vmem>>) dst(%dma_wait3A_159 : memref<8x4096xf32, #tpu.memory_space<hbm>>)
    %dma_wait3A_164 = arith.constant 1 : i32
    %dma_wait3A_165 = arith.constant 1 : i32
    %dma_wait3A_166 = arith.constant 0 : i32
    %dma_wait3A_167 = arith.constant 0 : i32
    %dma_wait3A_168 = tpu.memref_slice %arg6[%dma_wait3A_164, %dma_wait3A_166, %dma_wait3A_167] : memref<3x8x4096xf32, #tpu.memory_space<vmem>> -> memref<1x8x4096xf32, #tpu.memory_space<vmem>>
    %dma_wait3A_169 = tpu.memref_squeeze %dma_wait3A_168 : memref<1x8x4096xf32, #tpu.memory_space<vmem>> -> memref<8x4096xf32, #tpu.memory_space<vmem>>
    %dma_wait3A_170 = arith.constant 0 : i32
    %dma_wait3A_171 = tpu.memref_slice %arg4[%select_n3A, %mul3A_32, %dma_wait3A_170] : memref<4x2048x4096xf32, #tpu.memory_space<hbm>> -> memref<1x8x4096xf32, #tpu.memory_space<hbm>>
    %dma_wait3A_172 = tpu.memref_squeeze %dma_wait3A_171 : memref<1x8x4096xf32, #tpu.memory_space<hbm>> -> memref<8x4096xf32, #tpu.memory_space<hbm>>
    %dma_wait3A_173 = tpu.memref_slice %arg8[%dma_wait3A_165] : memref<3x!tpu.dma_semaphore, #tpu.memory_space<semaphore_mem>> -> memref<1x!tpu.dma_semaphore, #tpu.memory_space<semaphore_mem>>
    %dma_wait3A_174 = tpu.memref_squeeze %dma_wait3A_173 : memref<1x!tpu.dma_semaphore, #tpu.memory_space<semaphore_mem>> -> memref<!tpu.dma_semaphore, #tpu.memory_space<semaphore_mem>>
    %dma_wait3A_175 = arith.constant 0 : i32
    %dma_wait3A_176 = tpu.memref_slice %arg4[%select_n3A, %mul3A_32, %dma_wait3A_175] : memref<4x2048x4096xf32, #tpu.memory_space<hbm>> -> memref<1x8x4096xf32, #tpu.memory_space<hbm>>
    %dma_wait3A_177 = tpu.memref_squeeze %dma_wait3A_176 : memref<1x8x4096xf32, #tpu.memory_space<hbm>> -> memref<8x4096xf32, #tpu.memory_space<hbm>>
    %dma_wait3A_178 = arith.constant 0 : i32
    %dma_wait3A_179 = arith.constant 0 : i32
    %dma_wait3A_180 = tpu.memref_slice %arg6[%dma_wait3A_164, %dma_wait3A_178, %dma_wait3A_179] : memref<3x8x4096xf32, #tpu.memory_space<vmem>> -> memref<1x8x4096xf32, #tpu.memory_space<vmem>>
    %dma_wait3A_181 = tpu.memref_squeeze %dma_wait3A_180 : memref<1x8x4096xf32, #tpu.memory_space<vmem>> -> memref<8x4096xf32, #tpu.memory_space<vmem>>
    tpu.wait_dma2 semaphore(%dma_wait3A_174 : memref<!tpu.dma_semaphore, #tpu.memory_space<semaphore_mem>>) src(%dma_wait3A_181 : memref<8x4096xf32, #tpu.memory_space<vmem>>) dst(%dma_wait3A_177 : memref<8x4096xf32, #tpu.memory_space<hbm>>)
    return
  }
}

</mosaic_0001>

<sc_bundles>
// kernel: kernel.3.cloned.1.call-start
scs
__scs_entry_jumppad:
0x0: {  	(pc) =	sbr.rel $0x88, $3  }
0x1: {  	(tag) =	ssettag $0x0;
	lr =	simm.s32 $0x1  }
0x2: {  	[smem:$0x3F9F] =	sst lr;
	_ =	strace $0xD0000000  }
0x3: {  	_ = 	snop  }
0x4: {  	_ = 	snop  }
0x5: {  	_ = 	snop  }
0x6: {  	_ = 	snop  }
0x7: {  	_ = 	snop  }
__scs_overlays_trampoline_lowered:
0x8: {  	[smem:$0x3FAE] =	sst s0  }
0x9: {  	[smem:$0x3FAF] =	sst s1  }
0xa: {  	[smem:$0x3FB0] =	sst s2  }
0xb: {  	[smem:$0x3FB1] =	sst s3  }
0xc: {  	[smem:$0x3FB2] =	sst s4  }
0xd: {  	[smem:$0x3FB3] =	sst s5  }
0xe: {  	[smem:$0x3FB4] =	sst s6  }
0xf: {  	[smem:$0x3FB5] =	sst s7  }
0x10: {  	[smem:$0x3FB6] =	sst s8  }
0x11: {  	[smem:$0x3FB7] =	sst s9;
	s0 =	simm.s32 @!p0 $0x0  }
0x12: {  	s1 =	sld [smem:$0x3F9D];
	s0 =	simm.s32 @p0 $0x1  }
0x13: {  	[smem:$0x3FB8] =	sst s0;
	s0 =	simm.s32 @!p1 $0x0  }
0x14: {  	s2 =	sld [smem:$0x3F9C];
	s0 =	simm.s32 @p1 $0x1  }
0x15: {  	[smem:$0x3FB9] =	sst s0;
	s0 =	simm.s32 @!p2 $0x0  }
0x16: {  	s3 =	sld [smem:$0x3FDB];
	s0 =	simm.s32 @p2 $0x1  }
0x17: {  	s4 =	simm.s32 $0x1BF5;
	[smem:$0x3FBB] =	sst s0  }
0x18: {  	s0 =	sld [smem:$0x3F9E];
	_ =	swait.ge [sflag:s4], $0x0  }
0x19: {  	s7 =	sld [smem:$0x3F9F]  }
0x1a: {  	s8 =	sadd.s32 $0xFFFFE003, lr  }
0x1b: {  	s9 =	sadd.s32 $0xFFFFFEF7, lr;
	s5 =	simm.s32 $0xFFFFFFFF;
	p2 =	slt.u32 s8, $0xFFFFF086  }
0x1c: {  	p1 =	slt.u32 s9, $0xF7A;
	s5 =	simm.s32 @!p2 $0x0  }
0x1d: {  	s5 =	simm.s32 @p1 $0x1;
	p0 =	seq.s32 s7, s2  }
0x1e: {  	s7 =	smul.u32 @!p0 $0xF7A, s2;
	p2 =	seq.s32 @!p0 s5, $0x0  }
0x1f: {  	s9 =	smul.u32 $0xF7A, s1;
	s8 =	simm.s32 @!p0 $0x1BF5;
	p2 =	por !p2, p0  }
0x20: {  	[sflag:s8] =	ssyncset.s32 @!p0 $0xFFFFF086;
	s6 =	sadd.s32 @!p0 s3, s7;
	s7 =	simm.s32 @!p0 $0x108  }
0x21: {  	s3 =	sadd.s32 s3, s9;
	s6 =	sadd.s32 @!p0 $0x88, s6;
	s7 =	simm.s32 @p2 $0x1082  }
0x22: {  	[simem:s7], [sflag:s8] =	dma.local @!p0 [hbm:s6], $0xF7A  }
0x23: {  	s9 =	sor.u32 $0xD0000000, s2;
	s6 =	simm.s32 $0x108;
	_ =	swait.ge @!p0 [sflag:s8], $0x0  }
0x24: {  	s3 =	sadd.s32 $0x88, s3;
	s6 =	simm.s32 @!p1 $0x1082;
	[sflag:s4] =	ssyncset.s32 $0xFFFFF086  }
0x25: {  	[simem:s6], [sflag:s4] =	dma.local [hbm:s3], $0xF7A  }
0x26: {  	[smem:$0x3F9F] =	sst s1;
	(tag) =	ssettag s2;
	_ =	strace s9  }
0x27: {  	s1 =	sld [smem:$0x3FAF]  }
0x28: {  	s2 =	sld [smem:$0x3FB0]  }
0x29: {  	s4 =	sld [smem:$0x3FB2]  }
0x2a: {  	p0 =	seq.s32 s5, $0x0;
	s5 =	sld [smem:$0x3FB3]  }
0x2b: {  	s6 =	sld [smem:$0x3FB4]  }
0x2c: {  	s7 =	sld [smem:$0x3FB5]  }
0x2d: {  	s3 =	simm.s32 $0x108;
	s8 =	sld [smem:$0x3FB6]  }
0x2e: {  	s3 =	simm.s32 @!p0 $0x1082;
	s9 =	sld [smem:$0x3FB7]  }
0x2f: {  	lr =	sadd.s32 s0, s3;
	s0 =	sld [smem:$0x3FAE]  }
0x30: {  	s3 =	sld [smem:$0x3FB1]  }
0x31: {  	[smem:$0x3FBA] =	sst s10  }
0x32: {  	s10 =	sld [smem:$0x3FB8];
	_ =	sdelay $0x3  }
0x33: {  	p0 =	seq.s32 s10, $0x1;
	s10 =	sld [smem:$0x3FBA];
	_ =	sdelay $0x3  }
0x34: {  	[smem:$0x3FBA] =	sst s10  }
0x35: {  	s10 =	sld [smem:$0x3FB9];
	_ =	sdelay $0x3  }
0x36: {  	p1 =	seq.s32 s10, $0x1;
	s10 =	sld [smem:$0x3FBA];
	_ =	sdelay $0x3  }
0x37: {  	[smem:$0x3FBA] =	sst s10  }
0x38: {  	s10 =	sld [smem:$0x3FBB]  }
0x39: {  	_ = 	snop;
	(pc) =	sbr.ind lr, $3  }
0x3a: {  	_ = 	snop  }
0x3b: {  	_ = 	snop  }
0x3c: {  	p2 =	seq.s32 s10, $0x1;
	s10 =	sld [smem:$0x3FBA]  }
0x3d: {  	_ =	shalt  }
0x3e: {  	_ =	shalt  }
0x3f: {  	_ =	shalt  }
0x40: {  	_ =	shalt  }
0x41: {  	_ =	shalt  }
0x42: {  	_ =	shalt  }
0x43: {  	_ =	shalt  }
0x44: {  	_ =	shalt  }
0x45: {  	_ =	shalt  }
0x46: {  	_ =	shalt  }
0x47: {  	_ =	shalt  }
0x48: {  	_ =	shalt  }
0x49: {  	_ =	shalt  }
0x4a: {  	_ =	shalt  }
0x4b: {  	_ =	shalt  }
0x4c: {  	_ =	shalt  }
0x4d: {  	_ =	shalt  }
0x4e: {  	_ =	shalt  }
0x4f: {  	_ =	shalt  }
0x50: {  	_ =	shalt  }
0x51: {  	_ =	shalt  }
0x52: {  	_ =	shalt  }
0x53: {  	_ =	shalt  }
0x54: {  	_ =	shalt  }
0x55: {  	_ =	shalt  }
0x56: {  	_ =	shalt  }
0x57: {  	_ =	shalt  }
0x58: {  	_ =	shalt  }
0x59: {  	_ =	shalt  }
0x5a: {  	_ =	shalt  }
0x5b: {  	_ =	shalt  }
0x5c: {  	_ =	shalt  }
0x5d: {  	_ =	shalt  }
0x5e: {  	_ =	shalt  }
0x5f: {  	_ =	shalt  }
0x60: {  	_ =	shalt  }
0x61: {  	_ =	shalt  }
0x62: {  	_ =	shalt  }
0x63: {  	_ =	shalt  }
0x64: {  	_ =	shalt  }
0x65: {  	_ =	shalt  }
0x66: {  	_ =	shalt  }
0x67: {  	_ =	shalt  }
0x68: {  	_ =	shalt  }
0x69: {  	_ =	shalt  }
0x6a: {  	_ =	shalt  }
0x6b: {  	_ =	shalt  }
0x6c: {  	_ =	shalt  }
0x6d: {  	_ =	shalt  }
0x6e: {  	_ =	shalt  }
0x6f: {  	_ =	shalt  }
0x70: {  	_ =	shalt  }
0x71: {  	_ =	shalt  }
0x72: {  	_ =	shalt  }
0x73: {  	_ =	shalt  }
0x74: {  	_ =	shalt  }
0x75: {  	_ =	shalt  }
0x76: {  	_ =	shalt  }
0x77: {  	_ =	shalt  }
0x78: {  	_ =	shalt  }
0x79: {  	_ =	shalt  }
0x7a: {  	_ =	shalt  }
0x7b: {  	_ =	shalt  }
0x7c: {  	_ =	shalt  }
0x7d: {  	_ =	shalt  }
0x7e: {  	_ =	shalt  }
0x7f: {  	_ =	shalt  }
0x80: {  	_ =	shalt  }
0x81: {  	_ =	shalt  }
0x82: {  	_ =	shalt  }
0x83: {  	_ =	shalt  }
0x84: {  	_ =	shalt  }
0x85: {  	_ =	shalt  }
0x86: {  	_ =	shalt  }
0x87: {  	_ =	shalt  }
.Lfunc_end0:
.L_simem_size_0:
called_computation_lowered:
.L_overlay_start_0:
0x88: {  	s2 =	sld [smem:$0x3FD9]  }
0x89: {  	s3 =	sld [smem:$0x3FFE];
	_ =	sdelay $0x1  }
0x8a: {  	s1 =	srdreg.scid  }
0x8b: {  	s0 =	sand.u32 $0x1, s1  }
0x8c: {  	s18 =	sshll.u32 s0, $0xA;
	s2 =	sadd.s32 s3, s2  }
0x8d: {  	s2 =	sadd.s32 s2, s18  }
0x8e: {  	[smem:$0x3FC6] =	sst s2  }
0x8f: {  	_ = 	snop  }
0x90: {  	s2 =	sld [smem:$0x3FC9]  }
0x91: {  	s19 =	sld [smem:$0x3FC8]  }
0x92: {  	s4 =	sld [smem:$0x3FD0];
	(tm) =	ssettm $0x1  }
0x93: {  	s5 =	sld [smem:$0x3FFB];
	_ =	sdelay $0x3  }
0x94: {  	_ =	strace s5  }
0x95: {  	s5 =	sld [smem:$0x3FFC];
	_ =	sdelay $0x3  }
0x96: {  	_ =	strace s5  }
0x97: {  	s5 =	sld [smem:$0x3FFD];
	_ =	sdelay $0x3  }
0x98: {  	_ =	strace s5  }
0x99: {  	_ =	strace $0x8FFFFFFF  }
0x9a: {  	s20 =	sld [smem:$0x3FDB];
	_ =	sdelay $0x1  }
0x9b: {  	s6 =	simm.s32 $_scs_section_size  }
0x9c: {  	s7 =	simm.s32 $_size__tile_overlayer_lowered;
	s8 =	simm.s32 $_tile_overlayer_lowered  }
0x9d: {  	s23 =	simm.s32 $0x1BFF;
	s22 =	sshll.u32 s8, $0x1;
	s5 =	sadd.s32 s6, s20  }
0x9e: {  	s9 =	simm.s32 $0x0;
	s21 =	sshll.u32 s7, $0x1;
	s7 =	sadd.s32 s22, s5  }
0x9f: {  	[timem:s9], [sflag:s23] =	dma.local [hbm:s7], s21  }
0xa0: {  	_ =	swait.ge [sflag:s23], s21  }
0xa1: {  	s6 =	ssub.s32 $0x0, s21;
	[sflag:s23] =	ssyncset.done $0x0  }
0xa2: {  	[sflag:s23] =	ssyncadd.s32 s6;
	_ =	sdelay $0x1  }
0xa3: {  	s24 =	simm.s32 $0x1B8B  }
0xa4: {  	_ =	swait.ge [sflag:s24], $0x1  }
0xa5: {  	[sflag:s24] =	ssyncset.done $0x0  }
0xa6: {  	s25 =	simm.s32 $0x1B8E;
	[sflag:s24] =	ssyncadd.s32 $0xFFFFFFFF  }
0xa7: {  	s26 =	simm.s32 $execute0_lowered;
	[smem:$0x3FD2] =	sst s25  }
0xa8: {  	s6 =	sshll.u32 s26, $0x1;
	_ =	strace $0x80000046;
	[dreg:$0x1] =	wrdreg $0xFFFFFFFF  }
0xa9: {  	s28 =	simm.s32 $_size_execute0_lowered;
	s5 =	sadd.s32 s5, s6;
	[dreg:$0x0] =	wrdreg $0x0  }
0xaa: {  	s6 =	sshll.u32 s28, $0x1;
	[dreg:$0x2] =	wrdreg s5  }
0xab: {  	[dreg:$0x3] =	wrdreg s6  }
0xac: {  	[dreg:$0x4] =	wrdreg $0xC0  }
0xad: {  	_ =	task [dreg:s9], $0x5FFFF  }
0xae: {  	[dreg:$0x1] =	wrdreg $0xFFFFFFFF  }
0xaf: {  	[dreg:$0x0] =	wrdreg $0x60  }
0xb0: {  	[dreg:$0x2] =	wrdreg s2  }
0xb1: {  	[dreg:$0x3] =	wrdreg s19  }
0xb2: {  	[dreg:$0x4] =	wrdreg s4  }
0xb3: {  	[dreg:$0x5] =	wrdreg $0x9  }
0xb4: {  	_ =	task.clear_ibuf [dreg:s9], $0x6FFFF;
	_ =	strace $0x90000046  }
0xb5: {  	s29 =	simm.s32 $0x9;
	_ =	strace $0x80000048  }
0xb6: {  	_ =	swait.ge [sflag:s29], $0x1  }
0xb7: {  	[sflag:s29] =	ssyncadd.s32 $0xFFFFFFFF  }
0xb8: {  	_ =	strace $0x90000048  }
0xb9: {  	_ =	sfence  }
0xba: {  	s30 =	sld [smem:$0x0];
	_ =	sdelay $0x2  }
0xbb: {  	s31 =	sshll.u32 s1, $0xD;
	s1 =	sshrl.u32 s1, $0x2  }
0xbc: {  	s3 =	sand.u32 $0x4000, s31;
	s1 =	sadd.s32 s1, s30  }
0xbd: {  	s0 =	sor.u32 s3, s0;
	s1 =	sshll.u32 s1, $0x11  }
0xbe: {  	s0 =	sor.u32 s1, s0  }
0xbf: {  	s0 =	sadd.s32 $0x8F2B, s0  }
0xc0: {  	[sflag:s0] =	ssyncadd.remote.s32 $0x1  }
0xc1: {  	_ =	sfence.sel $0xFFFF  }
0xc2: {  	[dreg:$0x0] =	wrdreg $0xFFFFFFFF;
	(pc) =	sbr.abs _section_cstart, $3  }
0xc3: {  	[dreg:$0x1] =	wrdreg $0xFFFFFFFF  }
0xc4: {  	_ =	task.clear_ibuf [dreg:s9], $0x2FFFF;
	_ =	strace $0x9FFFFFFF  }
0xc5: {  	(tm) =	ssettm $0x7FFFFFFF  }
tec
execute0_lowered:
.L_overlay_start_1:
0x0: {  	(tag) =	ssettag $0x1  }
0x1: {  	s2 =	rddreg [dreg:$0x0]  }
0x2: {  	s1 =	rddreg [dreg:$0x1]  }
0x3: {  	s0 =	rddreg [dreg:$0x2];
	s3 =	simm.s32 $0x0;
	s10 =	stileid.u32  }
0x4: {  	s4 =	srdreg.scid;
	s22 =	simm.s32 $0x10900;
	s23 =	simm.s32 $0x11100  }
0x5: {  	s24 =	simm.s32 $0x11900;
	s25 =	simm.s32 $0x12100;
	s26 =	simm.s32 $0x12900  }
0x6: {  	s28 =	simm.s32 $0x13100;
	s29 =	simm.s32 $0x13900;
	s31 =	simm.s32 $0x900  }
0x7: {  	s30 =	simm.s32 $0x8100;
	[smem:$0x7FF] =	sst s3;
	s5 =	sshll.u32 s10, $0x1  }
0x8: {  	s4 =	sand.u32 $0x1, s4;
	_ =	strace $0x80000047;
	[dreg:$0x7] =	wrdreg s22  }
0x9: {  	s6 =	sshrl.u32 s10, $0x2;
	s18 =	sand.u32 $0x3, s10;
	[dreg:$0x8] =	wrdreg s23  }
0xa: {  	s10 =	sadd.s32 $0x600, s1;
	s11 =	sadd.s32 $0x700, s1;
	[dreg:$0x9] =	wrdreg s24  }
0xb: {  	s12 =	sadd.s32 $0x800, s1;
	s15 =	sadd.s32 $0xB00, s1;
	[dreg:$0xa] =	wrdreg s25  }
0xc: {  	s16 =	sadd.s32 $0xC00, s1;
	s5 =	sand.u32 $0x6, s5;
	[dreg:$0xb] =	wrdreg s26  }
0xd: {  	s7 =	ssub.s32 $0x2, s4;
	s17 =	sshll.u32 s6, $0x4;
	[dreg:$0xc] =	wrdreg s28  }
0xe: {  	s21 =	sshll.u32 s6, $0x17;
	[dreg:$0xd] =	wrdreg s29;
	s22 =	simm.s32 $0x14900  }
0xf: {  	s6 =	sadd.s32 $0x200, s1;
	s23 =	simm.s32 $0x15100;
	[dreg:$0xf] =	wrdreg s22  }
0x10: {  	s24 =	simm.s32 $0x15900;
	s25 =	simm.s32 $0x16100;
	[dreg:$0x10] =	wrdreg s23  }
0x11: {  	s26 =	simm.s32 $0x16900;
	s28 =	simm.s32 $0x17100;
	[dreg:$0x11] =	wrdreg s24  }
0x12: {  	s29 =	simm.s32 $0x17900;
	s20 =	sor.u32 s4, s5;
	[dreg:$0x12] =	wrdreg s25  }
0x13: {  	s8 =	sshrl.u32 s7, $0x1;
	s5 =	sadd.s32 s2, s17;
	[dreg:$0x13] =	wrdreg s26  }
0x14: {  	s4 =	sshll.u32 s4, $0x14;
	s17 =	sadd.s32 $0xD00, s1;
	[dreg:$0x14] =	wrdreg s28  }
0x15: {  	[dreg:$0x15] =	wrdreg s29;
	s26 =	simm.s32 $0x100;
	s23 =	simm.s32 $0x10100  }
0x16: {  	s24 =	simm.s32 $0x1;
	s22 =	simm.s32 $0x3;
	s9 =	sshll.u32 s20, $0x7  }
0x17: {  	s2 =	ssub.s32 s7, s8;
	s7 =	sshll.u32 s18, $0x15;
	s8 =	sadd.s32 $0x400, s1  }
0x18: {  	s18 =	sadd.s32 $0xE00, s1;
	s20 =	sshll.u32 s20, $0x14;
	s5 =	sadd.s32 s9, s5  }
0x19: {  	s19 =	sor.u32 s7, s21;
	s7 =	sadd.s32 $0x300, s1;
	s9 =	sadd.s32 $0x500, s1  }
0x1a: {  	s20 =	sor.u32 s21, s20;
	s21 =	simm.s32 $0x14100;
	s2 =	smax.u32 s2, $0x1  }
0x1b: {  	[dreg:$0x16] =	wrdreg s5;
	s5 =	sadd.s32 $0x100, s1;
	s4 =	sor.u32 s4, s19  }
0x1c: {  	s19 =	sadd.s32 $0xF00, s1;
	s20 =	sshrl.u32 s20, $0x3;
	[dreg:$0xe] =	wrdreg s21  }
0x1d: {  	[dreg:$0x19] =	wrdreg s2;
	s21 =	simm.s32 $0x5;
	s2 =	simm.s32 $0xF100  }
0x1e: {  	s13 =	sor.u32 $0x10000, s4;
	s14 =	sshrl.u32 s4, $0x3;
	s4 =	sor.u32 $0x8000, s4  }
0x1f: {  	s13 =	sshrl.u32 s13, $0x3;
	s14 =	sadd.s32 s14, s0;
	s4 =	sshrl.u32 s4, $0x3  }
0x20: {  	s13 =	sadd.s32 s13, s0;
	[dreg:$0x5] =	wrdreg s14;
	s4 =	sadd.s32 s4, s0  }
0x21: {  	s14 =	sadd.s32 $0xA00, s1;
	s0 =	sadd.s32 s20, s0;
	[dreg:$0x4] =	wrdreg s13  }
0x22: {  	v0 =	vlaneseq.u32;
	s13 =	sadd.s32 $0x900, s1;
	[dreg:$0x6] =	wrdreg s4;
	s20 =	sadd.s32 $0x1E000, s0  }
0x23: {  	v1 =	vshrl.u32 v0, $0x3;
	s0 =	sadd.s32 $0x1F000, s0;
	s4 =	simm.s32 $0x4;
	[dreg:$0x17] =	wrdreg s20  }
0x24: {  	vm0 =	vmmov $0xffff;
	v0 =	vand.u32 $0x7, v0;
	v1 =	vmul.u32 $0x8, v1;
	[dreg:$0x18] =	wrdreg s0;
	s20 =	simm.s32 $0x2;
	s0 =	simm.s32 $0x0  }
.LBB2_1:
0x25: {  	[dreg:$0x1a] =	wrdreg s0  }
0x26: {  	s25 =	rddreg [dreg:$0x16]  }
0x27: {  	s28 =	simm.s32 $0x80;
	s29 =	simm.s32 $0x200;
	s0 =	simm.s32 $0x7  }
0x28: {  	[tilespmem:s3], [sflag:$0x7] =	stream.strided.gather [hbm4b:s25+s28], $0x100, s29, s28, $0x38;
	[tilespmem:$0x18100] =	vst v63  }
0x29: {  	_ =	swait.ge [sflag:s0], $0x100  }
0x2a: {  	[sflag:s0] =	ssyncset.done $0x0  }
0x2b: {  	[sflag:s0] =	ssyncadd.s32 $0xFFFFFF00  }
0x2c: {  	v2 =	vld.msk [tilespmem:$0x0], $0xff;
	_ =	sdelay $0x4  }
0x2d: {  	v3 =	vshll.u32 v2, $0x5  }
0x2e: {  	v2 =	vand.u32 $0x7, v2;
	v3 =	vand.u32 $0xFFFFFF00, v3  }
0x2f: {  	v2 =	vor.u32 v2, v3  }
0x30: {  	v2 =	vperm.xlane v2, v0;
	_ =	sdelay $0x1  }
0x31: {  	v2 =	vadd.s32 v1, v2;
	_ =	sdelay $0x4  }
0x32: {  	[tilespmem:s26], [sflag:$0x1] =	stream.indirect_vreg.gather [hbm4b:s1+s3], $0x80, v2, vm0, $0xb8;
	[tilespmem:$0x18100] =	vst v63  }
0x33: {  	_ = 	snop  }
0x34: {  	[tilespmem:s31], [sflag:$0x1] =	stream.indirect_vreg.gather [hbm4b:s5+s3], $0x80, v2, vm0, $0xb8;
	[tilespmem:$0x18100] =	vst v63  }
0x35: {  	s25 =	simm.s32 $0x1100  }
0x36: {  	[tilespmem:s25], [sflag:$0x1] =	stream.indirect_vreg.gather [hbm4b:s6+s3], $0x80, v2, vm0, $0xb8;
	[tilespmem:$0x18100] =	vst v63  }
0x37: {  	s29 =	simm.s32 $0x1900  }
0x38: {  	[tilespmem:s29], [sflag:$0x1] =	stream.indirect_vreg.gather [hbm4b:s7+s3], $0x80, v2, vm0, $0xb8;
	[tilespmem:$0x18100] =	vst v63  }
0x39: {  	s31 =	simm.s32 $0x2100  }
0x3a: {  	[tilespmem:s31], [sflag:$0x1] =	stream.indirect_vreg.gather [hbm4b:s8+s3], $0x80, v2, vm0, $0xb8;
	[tilespmem:$0x18100] =	vst v63  }
0x3b: {  	s25 =	simm.s32 $0x2900  }
0x3c: {  	[tilespmem:s25], [sflag:$0x1] =	stream.indirect_vreg.gather [hbm4b:s9+s3], $0x80, v2, vm0, $0xb8;
	[tilespmem:$0x18100] =	vst v63  }
0x3d: {  	s29 =	simm.s32 $0x3100  }
0x3e: {  	[tilespmem:s29], [sflag:$0x1] =	stream.indirect_vreg.gather [hbm4b:s10+s3], $0x80, v2, vm0, $0xb8;
	[tilespmem:$0x18100] =	vst v63  }
0x3f: {  	s31 =	simm.s32 $0x3900  }
0x40: {  	[tilespmem:s31], [sflag:$0x1] =	stream.indirect_vreg.gather [hbm4b:s11+s3], $0x80, v2, vm0, $0xb8;
	[tilespmem:$0x18100] =	vst v63  }
0x41: {  	s25 =	simm.s32 $0x4100  }
0x42: {  	[tilespmem:s25], [sflag:$0x1] =	stream.indirect_vreg.gather [hbm4b:s12+s3], $0x80, v2, vm0, $0xb8;
	[tilespmem:$0x18100] =	vst v63  }
0x43: {  	s29 =	simm.s32 $0x4900  }
0x44: {  	[tilespmem:s29], [sflag:$0x1] =	stream.indirect_vreg.gather [hbm4b:s13+s3], $0x80, v2, vm0, $0xb8;
	[tilespmem:$0x18100] =	vst v63  }
0x45: {  	s31 =	simm.s32 $0x5100  }
0x46: {  	[tilespmem:s31], [sflag:$0x1] =	stream.indirect_vreg.gather [hbm4b:s14+s3], $0x80, v2, vm0, $0xb8;
	[tilespmem:$0x18100] =	vst v63  }
0x47: {  	s25 =	simm.s32 $0x5900  }
0x48: {  	[tilespmem:s25], [sflag:$0x1] =	stream.indirect_vreg.gather [hbm4b:s15+s3], $0x80, v2, vm0, $0xb8;
	[tilespmem:$0x18100] =	vst v63  }
0x49: {  	s29 =	simm.s32 $0x6100  }
0x4a: {  	[tilespmem:s29], [sflag:$0x1] =	stream.indirect_vreg.gather [hbm4b:s16+s3], $0x80, v2, vm0, $0xb8;
	[tilespmem:$0x18100] =	vst v63  }
0x4b: {  	s31 =	simm.s32 $0x6900  }
0x4c: {  	[tilespmem:s31], [sflag:$0x1] =	stream.indirect_vreg.gather [hbm4b:s17+s3], $0x80, v2, vm0, $0xb8;
	[tilespmem:$0x18100] =	vst v63  }
0x4d: {  	s25 =	simm.s32 $0x7100  }
0x4e: {  	[tilespmem:s25], [sflag:$0x1] =	stream.indirect_vreg.gather [hbm4b:s18+s3], $0x80, v2, vm0, $0xb8;
	[tilespmem:$0x18100] =	vst v63  }
0x4f: {  	s29 =	simm.s32 $0x7900  }
0x50: {  	[tilespmem:s29], [sflag:$0x1] =	stream.indirect_vreg.gather [hbm4b:s19+s3], $0x80, v2, vm0, $0xb8;
	[tilespmem:$0x18100] =	vst v63  }
0x51: {  	v2 =	vld.msk [tilespmem:$0x8], $0xff;
	_ =	sdelay $0x4  }
0x52: {  	v3 =	vshll.u32 v2, $0x5  }
0x53: {  	v2 =	vand.u32 $0x7, v2;
	v3 =	vand.u32 $0xFFFFFF00, v3  }
0x54: {  	v2 =	vor.u32 v2, v3  }
0x55: {  	v2 =	vperm.xlane v2, v0;
	_ =	sdelay $0x1  }
0x56: {  	v2 =	vadd.s32 v1, v2;
	_ =	sdelay $0x4  }
0x57: {  	[tilespmem:s30], [sflag:$0x2] =	stream.indirect_vreg.gather [hbm4b:s1+s3], $0x80, v2, vm0, $0xb8;
	[tilespmem:$0x18100] =	vst v63  }
0x58: {  	s31 =	simm.s32 $0x8900  }
0x59: {  	[tilespmem:s31], [sflag:$0x2] =	stream.indirect_vreg.gather [hbm4b:s5+s3], $0x80, v2, vm0, $0xb8;
	[tilespmem:$0x18100] =	vst v63  }
0x5a: {  	s25 =	simm.s32 $0x9100  }
0x5b: {  	[tilespmem:s25], [sflag:$0x2] =	stream.indirect_vreg.gather [hbm4b:s6+s3], $0x80, v2, vm0, $0xb8;
	[tilespmem:$0x18100] =	vst v63  }
0x5c: {  	s29 =	simm.s32 $0x9900  }
0x5d: {  	[tilespmem:s29], [sflag:$0x2] =	stream.indirect_vreg.gather [hbm4b:s7+s3], $0x80, v2, vm0, $0xb8;
	[tilespmem:$0x18100] =	vst v63  }
0x5e: {  	s31 =	simm.s32 $0xA100  }
0x5f: {  	[tilespmem:s31], [sflag:$0x2] =	stream.indirect_vreg.gather [hbm4b:s8+s3], $0x80, v2, vm0, $0xb8;
	[tilespmem:$0x18100] =	vst v63  }
0x60: {  	s25 =	simm.s32 $0xA900  }
0x61: {  	[tilespmem:s25], [sflag:$0x2] =	stream.indirect_vreg.gather [hbm4b:s9+s3], $0x80, v2, vm0, $0xb8;
	[tilespmem:$0x18100] =	vst v63  }
0x62: {  	s29 =	simm.s32 $0xB100  }
0x63: {  	[tilespmem:s29], [sflag:$0x2] =	stream.indirect_vreg.gather [hbm4b:s10+s3], $0x80, v2, vm0, $0xb8;
	[tilespmem:$0x18100] =	vst v63  }
0x64: {  	s31 =	simm.s32 $0xB900  }
0x65: {  	[tilespmem:s31], [sflag:$0x2] =	stream.indirect_vreg.gather [hbm4b:s11+s3], $0x80, v2, vm0, $0xb8;
	[tilespmem:$0x18100] =	vst v63  }
0x66: {  	s25 =	simm.s32 $0xC100  }
0x67: {  	[tilespmem:s25], [sflag:$0x2] =	stream.indirect_vreg.gather [hbm4b:s12+s3], $0x80, v2, vm0, $0xb8;
	[tilespmem:$0x18100] =	vst v63  }
0x68: {  	s29 =	simm.s32 $0xC900  }
0x69: {  	[tilespmem:s29], [sflag:$0x2] =	stream.indirect_vreg.gather [hbm4b:s13+s3], $0x80, v2, vm0, $0xb8;
	[tilespmem:$0x18100] =	vst v63  }
0x6a: {  	s31 =	simm.s32 $0xD100  }
0x6b: {  	[tilespmem:s31], [sflag:$0x2] =	stream.indirect_vreg.gather [hbm4b:s14+s3], $0x80, v2, vm0, $0xb8;
	[tilespmem:$0x18100] =	vst v63  }
0x6c: {  	s25 =	simm.s32 $0xD900  }
0x6d: {  	[tilespmem:s25], [sflag:$0x2] =	stream.indirect_vreg.gather [hbm4b:s15+s3], $0x80, v2, vm0, $0xb8;
	[tilespmem:$0x18100] =	vst v63  }
0x6e: {  	s29 =	simm.s32 $0xE100  }
0x6f: {  	[tilespmem:s29], [sflag:$0x2] =	stream.indirect_vreg.gather [hbm4b:s16+s3], $0x80, v2, vm0, $0xb8;
	[tilespmem:$0x18100] =	vst v63  }
0x70: {  	s31 =	simm.s32 $0xE900  }
0x71: {  	[tilespmem:s31], [sflag:$0x2] =	stream.indirect_vreg.gather [hbm4b:s17+s3], $0x80, v2, vm0, $0xb8;
	[tilespmem:$0x18100] =	vst v63  }
0x72: {  	_ = 	snop  }
0x73: {  	[tilespmem:s2], [sflag:$0x2] =	stream.indirect_vreg.gather [hbm4b:s18+s3], $0x80, v2, vm0, $0xb8;
	[tilespmem:$0x18100] =	vst v63  }
0x74: {  	s28 =	simm.s32 $0x0;
	s0 =	simm.s32 $0xF900;
	s25 =	simm.s32 $0x20  }
0x75: {  	[tilespmem:s0], [sflag:$0x2] =	stream.indirect_vreg.gather [hbm4b:s19+s3], $0x80, v2, vm0, $0xb8;
	[tilespmem:$0x18100] =	vst v63  }
.LBB2_2:
0x76: {  	p0 =	seq.s32 s28, $0x0  }
0x77: {  	s29 =	simm.s32 @!p0 $0x6  }
0x78: {  	_ =	swait.ge @!p0 [sflag:s29], $0x8000  }
0x79: {  	[sflag:s29] =	ssyncset.done @!p0 $0x0  }
0x7a: {  	[sflag:s29] =	ssyncadd.s32 @!p0 $0xFFFF8000  }
0x7b: {  	v2 =	vld.msk [tilespmem:s25+$0xFFFFFFF0], $0xff;
	_ =	sdelay $0x4  }
0x7c: {  	v3 =	vshll.u32 v2, $0x5  }
0x7d: {  	v2 =	vand.u32 $0x7, v2;
	v3 =	vand.u32 $0xFFFFFF00, v3  }
0x7e: {  	v2 =	vor.u32 v2, v3  }
0x7f: {  	v2 =	vperm.xlane v2, v0;
	_ =	sdelay $0x1  }
0x80: {  	v2 =	vadd.s32 v1, v2;
	_ =	sdelay $0x4  }
0x81: {  	[tilespmem:s23], [sflag:$0x3] =	stream.indirect_vreg.gather [hbm4b:s1+s3], $0x80, v2, vm0, $0xb8;
	[tilespmem:$0x18100] =	vst v63  }
0x82: {  	s29 =	rddreg [dreg:$0x7]  }
0x83: {  	[tilespmem:s29], [sflag:$0x3] =	stream.indirect_vreg.gather [hbm4b:s5+s3], $0x80, v2, vm0, $0xb8;
	[tilespmem:$0x18100] =	vst v63  }
0x84: {  	s31 =	rddreg [dreg:$0x8]  }
0x85: {  	[tilespmem:s31], [sflag:$0x3] =	stream.indirect_vreg.gather [hbm4b:s6+s3], $0x80, v2, vm0, $0xb8;
	[tilespmem:$0x18100] =	vst v63  }
0x86: {  	s29 =	rddreg [dreg:$0x9]  }
0x87: {  	[tilespmem:s29], [sflag:$0x3] =	stream.indirect_vreg.gather [hbm4b:s7+s3], $0x80, v2, vm0, $0xb8;
	[tilespmem:$0x18100] =	vst v63  }
0x88: {  	s31 =	rddreg [dreg:$0xa]  }
0x89: {  	[tilespmem:s31], [sflag:$0x3] =	stream.indirect_vreg.gather [hbm4b:s8+s3], $0x80, v2, vm0, $0xb8;
	[tilespmem:$0x18100] =	vst v63  }
0x8a: {  	s29 =	rddreg [dreg:$0xb]  }
0x8b: {  	[tilespmem:s29], [sflag:$0x3] =	stream.indirect_vreg.gather [hbm4b:s9+s3], $0x80, v2, vm0, $0xb8;
	[tilespmem:$0x18100] =	vst v63  }
0x8c: {  	s31 =	rddreg [dreg:$0xc]  }
0x8d: {  	[tilespmem:s31], [sflag:$0x3] =	stream.indirect_vreg.gather [hbm4b:s10+s3], $0x80, v2, vm0, $0xb8;
	[tilespmem:$0x18100] =	vst v63  }
0x8e: {  	s29 =	rddreg [dreg:$0xd]  }
0x8f: {  	[tilespmem:s29], [sflag:$0x3] =	stream.indirect_vreg.gather [hbm4b:s11+s3], $0x80, v2, vm0, $0xb8;
	[tilespmem:$0x18100] =	vst v63  }
0x90: {  	s31 =	rddreg [dreg:$0xe]  }
0x91: {  	[tilespmem:s31], [sflag:$0x3] =	stream.indirect_vreg.gather [hbm4b:s12+s3], $0x80, v2, vm0, $0xb8;
	[tilespmem:$0x18100] =	vst v63  }
0x92: {  	s29 =	rddreg [dreg:$0xf]  }
0x93: {  	[tilespmem:s29], [sflag:$0x3] =	stream.indirect_vreg.gather [hbm4b:s13+s3], $0x80, v2, vm0, $0xb8;
	[tilespmem:$0x18100] =	vst v63  }
0x94: {  	s31 =	rddreg [dreg:$0x10]  }
0x95: {  	[tilespmem:s31], [sflag:$0x3] =	stream.indirect_vreg.gather [hbm4b:s14+s3], $0x80, v2, vm0, $0xb8;
	[tilespmem:$0x18100] =	vst v63  }
0x96: {  	s29 =	rddreg [dreg:$0x11]  }
0x97: {  	[tilespmem:s29], [sflag:$0x3] =	stream.indirect_vreg.gather [hbm4b:s15+s3], $0x80, v2, vm0, $0xb8;
	[tilespmem:$0x18100] =	vst v63  }
0x98: {  	s31 =	rddreg [dreg:$0x12]  }
0x99: {  	[tilespmem:s31], [sflag:$0x3] =	stream.indirect_vreg.gather [hbm4b:s16+s3], $0x80, v2, vm0, $0xb8;
	[tilespmem:$0x18100] =	vst v63  }
0x9a: {  	s29 =	rddreg [dreg:$0x13]  }
0x9b: {  	[tilespmem:s29], [sflag:$0x3] =	stream.indirect_vreg.gather [hbm4b:s17+s3], $0x80, v2, vm0, $0xb8;
	[tilespmem:$0x18100] =	vst v63  }
0x9c: {  	s31 =	rddreg [dreg:$0x14]  }
0x9d: {  	[tilespmem:s31], [sflag:$0x3] =	stream.indirect_vreg.gather [hbm4b:s18+s3], $0x80, v2, vm0, $0xb8;
	[tilespmem:$0x18100] =	vst v63  }
0x9e: {  	s29 =	rddreg [dreg:$0x15]  }
0x9f: {  	[tilespmem:s29], [sflag:$0x3] =	stream.indirect_vreg.gather [hbm4b:s19+s3], $0x80, v2, vm0, $0xb8;
	[tilespmem:$0x18100] =	vst v63  }
0xa0: {  	_ =	swait.ge [sflag:s24], $0x8000  }
0xa1: {  	s29 =	rddreg [dreg:$0x5];
	[sflag:s24] =	ssyncset.done $0x0  }
0xa2: {  	[sflag:s24] =	ssyncadd.s32 $0xFFFF8000;
	s29 =	sadd.s32 s28, s29  }
0xa3: {  	[hbm4b:s29+s3] =	stream.linear.scatter [tilespmem:s26], [sflag:$0x4], $0x8000, $0x38;
	[tilespmem:$0x18100] =	vst v63  }
0xa4: {  	_ =	swait.ge [sflag:s4], $0x8000  }
0xa5: {  	[sflag:s4] =	ssyncset.done $0x0  }
0xa6: {  	[sflag:s4] =	ssyncadd.s32 $0xFFFF8000  }
0xa7: {  	v2 =	vld.msk [tilespmem:s25+$0xFFFFFFF8], $0xff;
	_ =	sdelay $0x4  }
0xa8: {  	v3 =	vshll.u32 v2, $0x5  }
0xa9: {  	v2 =	vand.u32 $0x7, v2;
	v3 =	vand.u32 $0xFFFFFF00, v3  }
0xaa: {  	v2 =	vor.u32 v2, v3  }
0xab: {  	v2 =	vperm.xlane v2, v0;
	_ =	sdelay $0x1  }
0xac: {  	v2 =	vadd.s32 v1, v2;
	_ =	sdelay $0x4  }
0xad: {  	[tilespmem:s26], [sflag:$0x1] =	stream.indirect_vreg.gather [hbm4b:s1+s3], $0x80, v2, vm0, $0xb8;
	[tilespmem:$0x18100] =	vst v63  }
0xae: {  	s31 =	simm.s32 $0x900  }
0xaf: {  	[tilespmem:s31], [sflag:$0x1] =	stream.indirect_vreg.gather [hbm4b:s5+s3], $0x80, v2, vm0, $0xb8;
	[tilespmem:$0x18100] =	vst v63  }
0xb0: {  	s29 =	simm.s32 $0x1100  }
0xb1: {  	[tilespmem:s29], [sflag:$0x1] =	stream.indirect_vreg.gather [hbm4b:s6+s3], $0x80, v2, vm0, $0xb8;
	[tilespmem:$0x18100] =	vst v63  }
0xb2: {  	s29 =	simm.s32 $0x1900  }
0xb3: {  	[tilespmem:s29], [sflag:$0x1] =	stream.indirect_vreg.gather [hbm4b:s7+s3], $0x80, v2, vm0, $0xb8;
	[tilespmem:$0x18100] =	vst v63  }
0xb4: {  	s29 =	simm.s32 $0x2100  }
0xb5: {  	[tilespmem:s29], [sflag:$0x1] =	stream.indirect_vreg.gather [hbm4b:s8+s3], $0x80, v2, vm0, $0xb8;
	[tilespmem:$0x18100] =	vst v63  }
0xb6: {  	s29 =	simm.s32 $0x2900  }
0xb7: {  	[tilespmem:s29], [sflag:$0x1] =	stream.indirect_vreg.gather [hbm4b:s9+s3], $0x80, v2, vm0, $0xb8;
	[tilespmem:$0x18100] =	vst v63  }
0xb8: {  	s29 =	simm.s32 $0x3100  }
0xb9: {  	[tilespmem:s29], [sflag:$0x1] =	stream.indirect_vreg.gather [hbm4b:s10+s3], $0x80, v2, vm0, $0xb8;
	[tilespmem:$0x18100] =	vst v63  }
0xba: {  	s29 =	simm.s32 $0x3900  }
0xbb: {  	[tilespmem:s29], [sflag:$0x1] =	stream.indirect_vreg.gather [hbm4b:s11+s3], $0x80, v2, vm0, $0xb8;
	[tilespmem:$0x18100] =	vst v63  }
0xbc: {  	s29 =	simm.s32 $0x4100  }
0xbd: {  	[tilespmem:s29], [sflag:$0x1] =	stream.indirect_vreg.gather [hbm4b:s12+s3], $0x80, v2, vm0, $0xb8;
	[tilespmem:$0x18100] =	vst v63  }
0xbe: {  	s29 =	simm.s32 $0x4900  }
0xbf: {  	[tilespmem:s29], [sflag:$0x1] =	stream.indirect_vreg.gather [hbm4b:s13+s3], $0x80, v2, vm0, $0xb8;
	[tilespmem:$0x18100] =	vst v63  }
0xc0: {  	s29 =	simm.s32 $0x5100  }
0xc1: {  	[tilespmem:s29], [sflag:$0x1] =	stream.indirect_vreg.gather [hbm4b:s14+s3], $0x80, v2, vm0, $0xb8;
	[tilespmem:$0x18100] =	vst v63  }
0xc2: {  	s29 =	simm.s32 $0x5900  }
0xc3: {  	[tilespmem:s29], [sflag:$0x1] =	stream.indirect_vreg.gather [hbm4b:s15+s3], $0x80, v2, vm0, $0xb8;
	[tilespmem:$0x18100] =	vst v63  }
0xc4: {  	s29 =	simm.s32 $0x6100  }
0xc5: {  	[tilespmem:s29], [sflag:$0x1] =	stream.indirect_vreg.gather [hbm4b:s16+s3], $0x80, v2, vm0, $0xb8;
	[tilespmem:$0x18100] =	vst v63  }
0xc6: {  	s29 =	simm.s32 $0x6900  }
0xc7: {  	[tilespmem:s29], [sflag:$0x1] =	stream.indirect_vreg.gather [hbm4b:s17+s3], $0x80, v2, vm0, $0xb8;
	[tilespmem:$0x18100] =	vst v63  }
0xc8: {  	s29 =	simm.s32 $0x7100  }
0xc9: {  	[tilespmem:s29], [sflag:$0x1] =	stream.indirect_vreg.gather [hbm4b:s18+s3], $0x80, v2, vm0, $0xb8;
	[tilespmem:$0x18100] =	vst v63  }
0xca: {  	s29 =	simm.s32 $0x7900  }
0xcb: {  	[tilespmem:s29], [sflag:$0x1] =	stream.indirect_vreg.gather [hbm4b:s19+s3], $0x80, v2, vm0, $0xb8;
	[tilespmem:$0x18100] =	vst v63  }
0xcc: {  	_ =	swait.ge [sflag:s20], $0x8000  }
0xcd: {  	s29 =	rddreg [dreg:$0x6];
	[sflag:s20] =	ssyncset.done $0x0  }
0xce: {  	[sflag:s20] =	ssyncadd.s32 $0xFFFF8000;
	s29 =	sadd.s32 s28, s29  }
0xcf: {  	[hbm4b:s29+s3] =	stream.linear.scatter [tilespmem:s30], [sflag:$0x5], $0x8000, $0x38;
	[tilespmem:$0x18100] =	vst v63  }
0xd0: {  	_ =	swait.ge [sflag:s21], $0x8000  }
0xd1: {  	[sflag:s21] =	ssyncset.done $0x0  }
0xd2: {  	[sflag:s21] =	ssyncadd.s32 $0xFFFF8000  }
0xd3: {  	v2 =	vld.msk [tilespmem:s25+$0x0], $0xff;
	_ =	sdelay $0x4  }
0xd4: {  	v3 =	vshll.u32 v2, $0x5  }
0xd5: {  	v2 =	vand.u32 $0x7, v2;
	v3 =	vand.u32 $0xFFFFFF00, v3  }
0xd6: {  	v2 =	vor.u32 v2, v3  }
0xd7: {  	v2 =	vperm.xlane v2, v0;
	_ =	sdelay $0x1  }
0xd8: {  	v2 =	vadd.s32 v1, v2;
	_ =	sdelay $0x4  }
0xd9: {  	[tilespmem:s30], [sflag:$0x2] =	stream.indirect_vreg.gather [hbm4b:s1+s3], $0x80, v2, vm0, $0xb8;
	[tilespmem:$0x18100] =	vst v63  }
0xda: {  	s29 =	simm.s32 $0x8900  }
0xdb: {  	[tilespmem:s29], [sflag:$0x2] =	stream.indirect_vreg.gather [hbm4b:s5+s3], $0x80, v2, vm0, $0xb8;
	[tilespmem:$0x18100] =	vst v63  }
0xdc: {  	s29 =	simm.s32 $0x9100  }
0xdd: {  	[tilespmem:s29], [sflag:$0x2] =	stream.indirect_vreg.gather [hbm4b:s6+s3], $0x80, v2, vm0, $0xb8;
	[tilespmem:$0x18100] =	vst v63  }
0xde: {  	s29 =	simm.s32 $0x9900  }
0xdf: {  	[tilespmem:s29], [sflag:$0x2] =	stream.indirect_vreg.gather [hbm4b:s7+s3], $0x80, v2, vm0, $0xb8;
	[tilespmem:$0x18100] =	vst v63  }
0xe0: {  	s29 =	simm.s32 $0xA100  }
0xe1: {  	[tilespmem:s29], [sflag:$0x2] =	stream.indirect_vreg.gather [hbm4b:s8+s3], $0x80, v2, vm0, $0xb8;
	[tilespmem:$0x18100] =	vst v63  }
0xe2: {  	s29 =	simm.s32 $0xA900  }
0xe3: {  	[tilespmem:s29], [sflag:$0x2] =	stream.indirect_vreg.gather [hbm4b:s9+s3], $0x80, v2, vm0, $0xb8;
	[tilespmem:$0x18100] =	vst v63  }
0xe4: {  	s29 =	simm.s32 $0xB100  }
0xe5: {  	[tilespmem:s29], [sflag:$0x2] =	stream.indirect_vreg.gather [hbm4b:s10+s3], $0x80, v2, vm0, $0xb8;
	[tilespmem:$0x18100] =	vst v63  }
0xe6: {  	s29 =	simm.s32 $0xB900  }
0xe7: {  	[tilespmem:s29], [sflag:$0x2] =	stream.indirect_vreg.gather [hbm4b:s11+s3], $0x80, v2, vm0, $0xb8;
	[tilespmem:$0x18100] =	vst v63  }
0xe8: {  	s29 =	simm.s32 $0xC100  }
0xe9: {  	[tilespmem:s29], [sflag:$0x2] =	stream.indirect_vreg.gather [hbm4b:s12+s3], $0x80, v2, vm0, $0xb8;
	[tilespmem:$0x18100] =	vst v63  }
0xea: {  	s29 =	simm.s32 $0xC900  }
0xeb: {  	[tilespmem:s29], [sflag:$0x2] =	stream.indirect_vreg.gather [hbm4b:s13+s3], $0x80, v2, vm0, $0xb8;
	[tilespmem:$0x18100] =	vst v63  }
0xec: {  	s29 =	simm.s32 $0xD100  }
0xed: {  	[tilespmem:s29], [sflag:$0x2] =	stream.indirect_vreg.gather [hbm4b:s14+s3], $0x80, v2, vm0, $0xb8;
	[tilespmem:$0x18100] =	vst v63  }
0xee: {  	s29 =	simm.s32 $0xD900  }
0xef: {  	[tilespmem:s29], [sflag:$0x2] =	stream.indirect_vreg.gather [hbm4b:s15+s3], $0x80, v2, vm0, $0xb8;
	[tilespmem:$0x18100] =	vst v63  }
0xf0: {  	s29 =	simm.s32 $0xE100  }
0xf1: {  	[tilespmem:s29], [sflag:$0x2] =	stream.indirect_vreg.gather [hbm4b:s16+s3], $0x80, v2, vm0, $0xb8;
	[tilespmem:$0x18100] =	vst v63  }
0xf2: {  	s29 =	simm.s32 $0xE900  }
0xf3: {  	[tilespmem:s29], [sflag:$0x2] =	stream.indirect_vreg.gather [hbm4b:s17+s3], $0x80, v2, vm0, $0xb8;
	[tilespmem:$0x18100] =	vst v63  }
0xf4: {  	_ = 	snop  }
0xf5: {  	[tilespmem:s2], [sflag:$0x2] =	stream.indirect_vreg.gather [hbm4b:s18+s3], $0x80, v2, vm0, $0xb8;
	[tilespmem:$0x18100] =	vst v63  }
0xf6: {  	_ = 	snop  }
0xf7: {  	[tilespmem:s0], [sflag:$0x2] =	stream.indirect_vreg.gather [hbm4b:s19+s3], $0x80, v2, vm0, $0xb8;
	[tilespmem:$0x18100] =	vst v63  }
0xf8: {  	_ =	swait.ge [sflag:s22], $0x8000  }
0xf9: {  	s29 =	rddreg [dreg:$0x4]  }
0xfa: {  	s29 =	sadd.s32 s28, s29;
	s28 =	sadd.s32 $0x3000, s28  }
0xfb: {  	p0 =	sne.s32 s28, $0x1E000  }
.Ltmp0:
0xfc: {  	_ = 	snop;
	(pc) =	sbr.rel @p0 .LBB2_2-.Ltmp0, $4  }
0xfd: {  	_ = 	snop  }
0xfe: {  	[sflag:s22] =	ssyncset.done $0x0  }
0xff: {  	s25 =	sadd.s32 $0x18, s25;
	[sflag:s22] =	ssyncadd.s32 $0xFFFF8000  }
0x100: {  	[hbm4b:s29+s3] =	stream.linear.scatter [tilespmem:s23], [sflag:$0x6], $0x8000, $0x38;
	[tilespmem:$0x18100] =	vst v63  }
0x101: {  	_ =	swait.ge [sflag:s24], $0x8000  }
0x102: {  	[sflag:s24] =	ssyncset.done $0x0  }
0x103: {  	s25 =	rddreg [dreg:$0x17];
	[sflag:s24] =	ssyncadd.s32 $0xFFFF8000  }
0x104: {  	[hbm4b:s25+s3] =	stream.linear.scatter [tilespmem:s26], [sflag:$0x4], $0x8000, $0x38;
	[tilespmem:$0x18100] =	vst v63  }
0x105: {  	_ =	swait.ge [sflag:s20], $0x8000  }
0x106: {  	[sflag:s20] =	ssyncset.done $0x0  }
0x107: {  	s0 =	rddreg [dreg:$0x18];
	[sflag:s20] =	ssyncadd.s32 $0xFFFF8000  }
0x108: {  	[hbm4b:s0+s3] =	stream.linear.scatter [tilespmem:s30], [sflag:$0x5], $0x8000, $0x38;
	[tilespmem:$0x18100] =	vst v63  }
0x109: {  	s0 =	simm.s32 $0x6  }
0x10a: {  	_ =	swait.ge [sflag:s0], $0x8000  }
0x10b: {  	[sflag:s0] =	ssyncset.done $0x0  }
0x10c: {  	[sflag:s0] =	ssyncadd.s32 $0xFFFF8000  }
0x10d: {  	_ =	swait.ge [sflag:s4], $0x8000  }
0x10e: {  	[sflag:s4] =	ssyncset.done $0x0  }
0x10f: {  	[sflag:s4] =	ssyncadd.s32 $0xFFFF8000  }
0x110: {  	_ =	swait.ge [sflag:s21], $0x8000  }
0x111: {  	s28 =	rddreg [dreg:$0x1a]  }
0x112: {  	s29 =	rddreg [dreg:$0x19];
	s0 =	sadd.s32 $0x1, s28  }
0x113: {  	p0 =	sne.s32 s0, s29  }
.Ltmp1:
0x114: {  	_ = 	snop;
	(pc) =	sbr.rel @p0 .LBB2_1-.Ltmp1, $3  }
0x115: {  	_ =	sdelay $0x1  }
0x116: {  	[sflag:s21] =	ssyncset.done $0x0  }
0x117: {  	[sflag:s21] =	ssyncadd.s32 $0xFFFF8000  }
0x118: {  	_ =	sfence.sel $0x180000  }
0x119: {  	[bflag:$0x0] =	sbarrier.arrive $0xFFFF  }
0x11a: {  	_ =	strace $0x90000047  }
0x11b: {  	s0 =	stileid.u32;
	[bflag:$0x2] =	sbarrier.arrive $0xFFFF  }
0x11c: {  	p0 =	sne.s32 s0, $0x0;
	s0 =	rddreg [dreg:$0x3]  }
0x11d: {  	s0 =	sadd.s32 @!p0 $0x100000, s0  }
0x11e: {  	[sflag:s0] =	ssyncadd.tile.s32 @!p0 $0x1;
	_ =	shalt  }
.Lfunc_end2:
_tile_overlayer_lowered:
.L_overlay_start_2:
0x11f: {  	(tag) =	ssettag $0x2  }
0x120: {  	s0 =	rddreg [dreg:$0x0];
	s2 =	stileid.u32  }
0x121: {  	s1 =	rddreg [dreg:$0x1];
	p0 =	sne.s32 s2, $0x0  }
0x122: {  	s3 =	rddreg [dreg:$0x2];
	[bflag:$0x3] =	sbarrier.arrive $0xFFFF;
	s2 =	simm.s32 @!p0 $0x1C07  }
0x123: {  	[timem:s3], [sflag:s2] =	dma.local @!p0 [hbm:s0], s1  }
0x124: {  	s0 =	simm.s32 @!p0 $0x7  }
0x125: {  	_ =	swait.ge @!p0 [sflag:s0], s1  }
0x126: {  	s1 =	ssub.s32 @!p0 $0x0, s1;
	[sflag:s0] =	ssyncset.done @!p0 $0x0  }
0x127: {  	[sflag:s0] =	ssyncadd.s32 @!p0 s1  }
0x128: {  	[bflag:$0x3] =	sbarrier.arrive $0xFFFF  }
0x129: {  	_ =	shalt  }

</sc_bundles>
